<compile_context>
chip_gen: v7x
topology: tpu7x:2x2x1
jax: 0.10.2.dev20260603
libtpu: 0.0.44.dev20260713+nightly
codegen_flags: <defaults>
</compile_context>

<pallas_src>
import functools

import jax
import jax.numpy as jnp
from jax import lax
from jax.experimental import pallas as pl
from jax.experimental.pallas import tpu as pltpu
from jax.experimental.pallas import tpu_sc as plsc


_CH = 200



def _table_body(f_ref, ip_ref, op_ref, l1r_ref, c0_ref, tab_ref, qq_ref):
    pp = jnp.dot(ip_ref[...], l1r_ref[...], preferred_element_type=jnp.float32)
    pad = jnp.zeros((f_ref.shape[0], 32), jnp.float32)
    tab_ref[...] = jnp.concatenate([f_ref[...], pp, pad], axis=1)
    qq_ref[...] = jnp.dot(op_ref[...], l1r_ref[...],
                          preferred_element_type=jnp.float32) - c0_ref[...]


def _build_table(features, input_pts, output_pts, l1r, c0, NB, C, H1):
    R = 1000
    return pl.pallas_call(
        _table_body,
        grid=(NB // R,),
        in_specs=[
            pl.BlockSpec((R, C), lambda i: (i, 0)),
            pl.BlockSpec((R, 3), lambda i: (i, 0)),
            pl.BlockSpec((R, 3), lambda i: (i, 0)),
            pl.BlockSpec((3, H1), lambda i: (0, 0)),
            pl.BlockSpec((1, H1), lambda i: (0, 0)),
        ],
        out_specs=[
            pl.BlockSpec((R, C + H1 + 32), lambda i: (i, 0)),
            pl.BlockSpec((R, H1), lambda i: (i, 0)),
        ],
        out_shape=[
            jax.ShapeDtypeStruct((NB, C + H1 + 32), jnp.float32),
            jax.ShapeDtypeStruct((NB, H1), jnp.float32),
        ],
    )(features, input_pts, output_pts, l1r, c0)



def _sc_gather_body(table_hbm, idx_hbm, out_hbm, idx_v, buf0, buf1,
                    sem0, sem1, *, per_w, nc):
    wid = lax.axis_index("s") * nc + lax.axis_index("c")
    base = wid * per_w
    pltpu.sync_copy(idx_hbm.at[pl.ds(base, per_w)], idx_v)

    nch = per_w // _CH

    def start(k, buf, sem):
        pltpu.async_copy(
            table_hbm.at[idx_v.at[pl.ds(k * _CH, _CH)]], buf, sem)

    def drain(k, buf, sem):
        pltpu.make_async_copy(
            table_hbm.at[idx_v.at[pl.ds(k * _CH, _CH)]], buf, sem).wait()
        pltpu.sync_copy(buf, out_hbm.at[pl.ds(base + k * _CH, _CH)])

    start(0, buf0, sem0)
    hi = nch - 1 if nch % 2 == 1 else nch - 2

    @pl.loop(1, hi, step=2)
    def _pair(k):
        start(k, buf1, sem1)
        drain(k - 1, buf0, sem0)
        start(k + 1, buf0, sem0)
        drain(k, buf1, sem1)

    if nch % 2 == 1:
        drain(nch - 1, buf0, sem0)
    else:
        start(nch - 1, buf1, sem1)
        drain(nch - 2, buf0, sem0)
        drain(nch - 1, buf1, sem1)


def _sc_gather(table, idx, n_edges, width):
    info = plsc.get_sparse_core_info()
    nc, ns = info.num_cores, info.num_subcores
    nw = nc * ns
    per_w = n_edges // nw
    assert n_edges % nw == 0 and per_w % _CH == 0 and per_w % 8 == 0
    mesh = plsc.VectorSubcoreMesh(core_axis_name="c", subcore_axis_name="s")
    body = functools.partial(_sc_gather_body, per_w=per_w, nc=nc)
    f = pl.kernel(
        body,
        out_type=jax.ShapeDtypeStruct((n_edges, width), table.dtype),
        mesh=mesh,
        scratch_types=[
            pltpu.VMEM((per_w,), jnp.int32),
            pltpu.VMEM((_CH, width), table.dtype),
            pltpu.VMEM((_CH, width), table.dtype),
            pltpu.SemaphoreType.DMA,
            pltpu.SemaphoreType.DMA,
        ],
    )
    return f(table, idx)



def _block_kernel(g_ref, qq_ref, l2w_ref, l2b_ref, l3w_ref, l3b_ref,
                  wp_ref, bias_ref, out_ref, *, P, K, C, KSZ, OUT, H1):
    PK = P * K
    pp = g_ref[:, C:C + H1]
    qq = qq_ref[...]
    qq_rep = jnp.broadcast_to(qq[:, None, :], (P, K, H1)).reshape(PK, H1)
    h = jnp.maximum(pp - qq_rep, 0.0)
    h = jnp.maximum(jnp.dot(h, l2w_ref[...],
                            preferred_element_type=jnp.float32)
                    + l2b_ref[...], 0.0)
    d = jnp.maximum(jnp.dot(h, l3w_ref[...],
                            preferred_element_type=jnp.float32)
                    + l3b_ref[...], 0.0)

    feats2 = jnp.tile(g_ref[:, :C], (1, 2))
    row16 = lax.broadcasted_iota(jnp.int32, (KSZ, 2 * C), 0)
    half = lax.broadcasted_iota(jnp.int32, (KSZ, 2 * C), 1) // C
    acc8 = jnp.zeros((P * 8, OUT), dtype=jnp.float32)
    for i in range(KSZ // 2):
        sel = (row16 == 2 * i + half).astype(jnp.float32)
        dexp = jnp.dot(d, sel, preferred_element_type=jnp.float32)
        prod = feats2 * dexp
        s8 = prod.reshape(P, 2, 8, 2 * C).sum(axis=1).reshape(P * 8, 2 * C)
        acc8 = acc8 + jnp.dot(s8, wp_ref[i],
                              preferred_element_type=jnp.float32)
    out = acc8.reshape(P, 8, OUT).sum(axis=1) * (1.0 / K) + bias_ref[...]
    out_ref[...] = jnp.maximum(out, 0.0)


def kernel(features, input_pts, output_pts, W, bias, centers,
           l1_w, l1_b, l2_w, l2_b, l3_w, l3_b, indices_, neighbor_num):
    B, N, C = features.shape
    K = indices_.shape[2]
    KSZ = centers.shape[1]
    OUT = W.shape[2]
    H1 = l1_w.shape[0]
    NB = B * N
    WIDTH = C + H1 + 32

    l1w3 = l1_w.reshape(H1, 3, KSZ)
    l1r = jnp.sum(l1w3, axis=2).T
    c0 = (l1_b - jnp.einsum('mij,ij->m', l1w3, centers)).reshape(1, H1)

    offs = (jnp.arange(B, dtype=indices_.dtype) * N)[:, None, None]
    idx = (indices_ + offs).reshape(NB * K).astype(jnp.int32)

    table, qq = _build_table(features.reshape(NB, C), input_pts.reshape(NB, 3),
                             output_pts.reshape(NB, 3), l1r, c0, NB, C, H1)
    N0 = 26000
    E0 = N0 * K
    g0 = _sc_gather(table, idx[:E0], E0, WIDTH)
    g1 = _sc_gather(table, idx[E0:], NB * K - E0, WIDTH)

    P = 400
    assert N0 % P == 0 and (NB - N0) % P == 0

    wp = jnp.transpose(W, (1, 0, 2)).reshape(KSZ // 2, 2 * C, OUT)
    body = functools.partial(_block_kernel, P=P, K=K, C=C, KSZ=KSZ,
                             OUT=OUT, H1=H1)

    def dense(g_part, qq_part, npts):
        return pl.pallas_call(
            body,
            grid=(npts // P,),
            in_specs=[
                pl.BlockSpec((P * K, WIDTH), lambda i: (i, 0)),
                pl.BlockSpec((P, H1), lambda i: (i, 0)),
                pl.BlockSpec((2 * KSZ, KSZ), lambda i: (0, 0)),
                pl.BlockSpec((1, KSZ), lambda i: (0, 0)),
                pl.BlockSpec((KSZ, KSZ), lambda i: (0, 0)),
                pl.BlockSpec((1, KSZ), lambda i: (0, 0)),
                pl.BlockSpec((KSZ // 2, 2 * C, OUT), lambda i: (0, 0, 0)),
                pl.BlockSpec((1, OUT), lambda i: (0, 0)),
            ],
            out_specs=pl.BlockSpec((P, OUT), lambda i: (i, 0)),
            out_shape=jax.ShapeDtypeStruct((npts, OUT), jnp.float32),
        )(g_part, qq_part, l2_w.T, l2_b.reshape(1, -1), l3_w.T,
          l3_b.reshape(1, -1), wp, bias.reshape(1, -1))

    out0 = dense(g0, qq[:N0], N0)
    out1 = dense(g1, qq[N0:], NB - N0)
    return jnp.concatenate([out0, out1], axis=0).reshape(B, N, OUT)

# --- scband reference (transcript-rebuilt; emitter-appended) ---
"""Pipeline reference for scband-seg-big-23914377904594 (READ-ONLY COPY).

The authoritative reference and input builder live on the scoring server;
editing this copy changes nothing except your own understanding.
"""

import jax, jax.numpy as jnp
import numpy as np


def setup_inputs(seed: int = 0) -> dict:
    key = jax.random.key(seed)
    ks = jax.random.split(key, 12)
    B, N, C = 1, 50000, 64
    K = 16       # neighbor_num
    KSZ = 16     # kernel_size
    OUT = 64     # out_feats
    DIM = 3
    features = jax.random.normal(ks[0], (B, N, C), dtype=jnp.float32)
    input_pts = jax.random.normal(ks[1], (B, N, DIM), dtype=jnp.float32)
    output_pts = jax.random.normal(ks[2], (B, N, DIM), dtype=jnp.float32)
    indices_ = jax.random.randint(ks[3], (B, N, K), 0, N)
    bound = float(np.sqrt(3.0) * np.sqrt(2.0 / (C + OUT)))
    W = jax.random.uniform(ks[4], (C, KSZ, OUT), minval=-bound, maxval=bound, dtype=jnp.float32)
    bias = jnp.zeros((OUT,), dtype=jnp.float32)
    centers = jax.random.uniform(ks[5], (DIM, KSZ), minval=-1.0, maxval=1.0, dtype=jnp.float32)
    l1_w = jax.random.normal(ks[6], (2 * KSZ, DIM * KSZ), dtype=jnp.float32) * 0.05
    l1_b = jnp.zeros((2 * KSZ,), dtype=jnp.float32)
    l2_w = jax.random.normal(ks[7], (KSZ, 2 * KSZ), dtype=jnp.float32) * 0.05
    l2_b = jnp.zeros((KSZ,), dtype=jnp.float32)
    l3_w = jax.random.normal(ks[8], (KSZ, KSZ), dtype=jnp.float32) * 0.05
    l3_b = jnp.zeros((KSZ,), dtype=jnp.float32)
    return {
        "features": features, "input_pts": input_pts, "output_pts": output_pts,
        "W": W, "bias": bias, "centers": centers,
        "l1_w": l1_w, "l1_b": l1_b, "l2_w": l2_w, "l2_b": l2_b, "l3_w": l3_w, "l3_b": l3_b,
        "indices_": indices_, "neighbor_num": 16,
    }


def reference(features, input_pts, output_pts, W, bias, centers,
              l1_w, l1_b, l2_w, l2_b, l3_w, l3_b, indices_, neighbor_num):
    B, N, C = features.shape
    K = indices_.shape[2]
    # add batch offsets and flatten-gather (same as torch view(-1,...)[indices])
    offs = (jnp.arange(B, dtype=indices_.dtype) * N)[:, None, None]
    idx = indices_ + offs
    feats = jnp.take(features.reshape(-1, C), idx, axis=0)              # [B, No, K, C]
    pts = jnp.take(input_pts.reshape(-1, input_pts.shape[2]), idx, axis=0)  # [B, No, K, 3]
    # nn_center
    pts = pts - output_pts[:, :, None, :]
    # relative distances to kernel centers: [B, No, K, 3, KSZ]
    dists = pts[..., None] - centers[None, None, None, :, :]
    d = dists.reshape(dists.shape[0], dists.shape[1], dists.shape[2], -1)  # [B, No, K, 3*KSZ]
    d = jax.nn.relu(d @ l1_w.T + l1_b)
    d = jax.nn.relu(d @ l2_w.T + l2_b)
    d = jax.nn.relu(d @ l3_w.T + l3_b)                                   # [B, No, K, KSZ]
    No = feats.shape[1]
    ft = jnp.swapaxes(feats, 2, 3).reshape(-1, C, K)                     # [B*No, C, K]
    d2 = d.reshape(-1, K, d.shape[-1])                                   # [B*No, K, KSZ]
    out = jnp.matmul(ft, d2)                                             # [B*No, C, KSZ]
    out = out.reshape(B, No, -1)                                         # [B, No, C*KSZ]
    out = out @ W.reshape(-1, W.shape[2])                                # [B, No, OUT]
    out = out / K
    out = out + bias
    out = jax.nn.relu(out)
    return out

if __name__ == "__main__":
    import jax
    _d = setup_inputs()
    print(jax.jit(kernel)(*tuple(_d.values())))

</pallas_src>

<mosaic_0001>
#map = affine_map<(d0, d1) -> (0, 0)>
#map1 = affine_map<(d0, d1) -> (0)>
module attributes {stable_mosaic.version = 14 : i64} {
  func.func @_sc_gather_body(%arg0: i32, %arg1: i32, %arg2: memref<50000x128xf32, #tpu.memory_space<hbm>>, %arg3: memref<416000xi32, #tpu.memory_space<hbm>>, %arg4: memref<416000x128xf32, #tpu.memory_space<hbm>>, %arg5: memref<13000xi32, #tpu.memory_space<vmem>>, %arg6: memref<200x128xf32, #tpu.memory_space<vmem>>, %arg7: memref<200x128xf32, #tpu.memory_space<vmem>>, %arg8: memref<!tpu.dma_semaphore, #tpu.memory_space<semaphore_mem>>, %arg9: memref<!tpu.dma_semaphore, #tpu.memory_space<semaphore_mem>>) attributes {dimension_semantics = [#tpu.dimension_semantics<core_parallel>, #tpu.dimension_semantics<subcore_parallel>], iteration_bounds = array<i64: 2, 16>, scalar_prefetch = 0 : i64, scratch_operands = 5 : i64, tpu.core_type = #tpu.core_type<sc_vector_subcore>, window_params = [{transform_indices = #map}, {transform_indices = #map1}, {transform_indices = #map}]} {
    %mul3A = arith.constant 2 : i32
    %mul3A_0 = arith.muli %arg1, %mul3A : i32
    %add3A = arith.addi %mul3A_0, %arg0 : i32
    %mul3A_1 = arith.constant 13000 : i32
    %mul3A_2 = arith.muli %add3A, %mul3A_1 : i32
    "tpu.region"() ({
      %run_scoped3A = tpu.sem_alloc : memref<!tpu.dma_semaphore, #tpu.memory_space<semaphore_mem>>
      %dma_start3A_17 = tpu.memref_slice %arg3[%mul3A_2] : memref<416000xi32, #tpu.memory_space<hbm>> -> memref<13000xi32, #tpu.memory_space<hbm>>
      %dma_start3A_18 = tpu.memref_slice %arg3[%mul3A_2] : memref<416000xi32, #tpu.memory_space<hbm>> -> memref<13000xi32, #tpu.memory_space<hbm>>
      tpu.enqueue_dma source(%dma_start3A_18 : memref<13000xi32, #tpu.memory_space<hbm>>) target(%arg5 : memref<13000xi32, #tpu.memory_space<vmem>>) target_semaphore(%run_scoped3A : memref<!tpu.dma_semaphore, #tpu.memory_space<semaphore_mem>>)
      %dma_wait3A_19 = tpu.memref_slice %arg3[%mul3A_2] : memref<416000xi32, #tpu.memory_space<hbm>> -> memref<13000xi32, #tpu.memory_space<hbm>>
      %dma_wait3A_20 = tpu.memref_slice %arg3[%mul3A_2] : memref<416000xi32, #tpu.memory_space<hbm>> -> memref<13000xi32, #tpu.memory_space<hbm>>
      tpu.wait_dma2 semaphore(%run_scoped3A : memref<!tpu.dma_semaphore, #tpu.memory_space<semaphore_mem>>) src(%dma_wait3A_20 : memref<13000xi32, #tpu.memory_space<hbm>>) dst(%arg5 : memref<13000xi32, #tpu.memory_space<vmem>>)
      tpu.yield
    }) : () -> ()
    %dma_start3A = arith.constant 0 : i32
    %dma_start3A_3 = tpu.memref_slice %arg5[%dma_start3A] : memref<13000xi32, #tpu.memory_space<vmem>> -> memref<200xi32, #tpu.memory_space<vmem>>
    %dma_start3A_4 = arith.constant 0 : i32
    %dma_start3A_5 = arith.constant 0 : i32
    %dma_start3A_6 = tpu.memref_slice %arg2[%dma_start3A_4, %dma_start3A_5] : memref<50000x128xf32, #tpu.memory_space<hbm>> -> memref<50000x128xf32, #tpu.memory_space<hbm>>
    tpu.enqueue_indirect_dma source(%dma_start3A_6 : memref<50000x128xf32, #tpu.memory_space<hbm>>) target(%arg6 : memref<200x128xf32, #tpu.memory_space<vmem>>) offsets(%dma_start3A_3 : memref<200xi32, #tpu.memory_space<vmem>>) semaphore(%arg8 : memref<!tpu.dma_semaphore, #tpu.memory_space<semaphore_mem>>)
    %scan3A = arith.constant 0 : i32
    %scan3A_7 = arith.constant 32 : i32
    %scan3A_8 = arith.addi %scan3A, %scan3A_7 : i32
    %scan3A_9 = arith.constant 1 : i32
    scf.for %scan3A_17 = %scan3A to %scan3A_8 step %scan3A_9  : i32 {
      %mul3A_18 = arith.constant 2 : i32
      %mul3A_19 = arith.muli %scan3A_17, %mul3A_18 : i32
      %add3A_20 = arith.constant 1 : i32
      %add3A_21 = arith.addi %add3A_20, %mul3A_19 : i32
      %mul3A_22 = arith.constant 200 : i32
      %mul3A_23 = arith.muli %add3A_21, %mul3A_22 : i32
      %dma_start3A_24 = tpu.memref_slice %arg5[%mul3A_23] : memref<13000xi32, #tpu.memory_space<vmem>> -> memref<200xi32, #tpu.memory_space<vmem>>
      %dma_start3A_25 = arith.constant 0 : i32
      %dma_start3A_26 = arith.constant 0 : i32
      %dma_start3A_27 = tpu.memref_slice %arg2[%dma_start3A_25, %dma_start3A_26] : memref<50000x128xf32, #tpu.memory_space<hbm>> -> memref<50000x128xf32, #tpu.memory_space<hbm>>
      tpu.enqueue_indirect_dma source(%dma_start3A_27 : memref<50000x128xf32, #tpu.memory_space<hbm>>) target(%arg7 : memref<200x128xf32, #tpu.memory_space<vmem>>) offsets(%dma_start3A_24 : memref<200xi32, #tpu.memory_space<vmem>>) semaphore(%arg9 : memref<!tpu.dma_semaphore, #tpu.memory_space<semaphore_mem>>)
      %sub3A = arith.constant 1 : i32
      %sub3A_28 = arith.subi %add3A_21, %sub3A : i32
      %mul3A_29 = arith.constant 200 : i32
      %mul3A_30 = arith.muli %sub3A_28, %mul3A_29 : i32
      %dma_wait3A_31 = tpu.memref_slice %arg5[%mul3A_30] : memref<13000xi32, #tpu.memory_space<vmem>> -> memref<200xi32, #tpu.memory_space<vmem>>
      %dma_wait3A_32 = arith.constant 0 : i32
      %dma_wait3A_33 = arith.constant 0 : i32
      %dma_wait3A_34 = tpu.memref_slice %arg2[%dma_wait3A_32, %dma_wait3A_33] : memref<50000x128xf32, #tpu.memory_space<hbm>> -> memref<50000x128xf32, #tpu.memory_space<hbm>>
      tpu.wait_indirect_dma semaphore(%arg8 : memref<!tpu.dma_semaphore, #tpu.memory_space<semaphore_mem>>) src(%dma_wait3A_34 : memref<50000x128xf32, #tpu.memory_space<hbm>>) dst(%arg6 : memref<200x128xf32, #tpu.memory_space<vmem>>)
      %mul3A_35 = arith.constant 200 : i32
      %mul3A_36 = arith.muli %sub3A_28, %mul3A_35 : i32
      %add3A_37 = arith.addi %mul3A_2, %mul3A_36 : i32
      "tpu.region"() ({
        %run_scoped3A = tpu.sem_alloc : memref<!tpu.dma_semaphore, #tpu.memory_space<semaphore_mem>>
        %dma_start3A_55 = arith.constant 0 : i32
        %dma_start3A_56 = tpu.memref_slice %arg4[%add3A_37, %dma_start3A_55] : memref<416000x128xf32, #tpu.memory_space<hbm>> -> memref<200x128xf32, #tpu.memory_space<hbm>>
        %dma_start3A_57 = arith.constant 0 : i32
        %dma_start3A_58 = tpu.memref_slice %arg4[%add3A_37, %dma_start3A_57] : memref<416000x128xf32, #tpu.memory_space<hbm>> -> memref<200x128xf32, #tpu.memory_space<hbm>>
        tpu.enqueue_dma source(%arg6 : memref<200x128xf32, #tpu.memory_space<vmem>>) target(%dma_start3A_58 : memref<200x128xf32, #tpu.memory_space<hbm>>) target_semaphore(%run_scoped3A : memref<!tpu.dma_semaphore, #tpu.memory_space<semaphore_mem>>)
        %dma_wait3A_59 = arith.constant 0 : i32
        %dma_wait3A_60 = tpu.memref_slice %arg4[%add3A_37, %dma_wait3A_59] : memref<416000x128xf32, #tpu.memory_space<hbm>> -> memref<200x128xf32, #tpu.memory_space<hbm>>
        %dma_wait3A_61 = arith.constant 0 : i32
        %dma_wait3A_62 = tpu.memref_slice %arg4[%add3A_37, %dma_wait3A_61] : memref<416000x128xf32, #tpu.memory_space<hbm>> -> memref<200x128xf32, #tpu.memory_space<hbm>>
        tpu.wait_dma2 semaphore(%run_scoped3A : memref<!tpu.dma_semaphore, #tpu.memory_space<semaphore_mem>>) src(%arg6 : memref<200x128xf32, #tpu.memory_space<vmem>>) dst(%dma_wait3A_62 : memref<200x128xf32, #tpu.memory_space<hbm>>)
        tpu.yield
      }) : () -> ()
      %add3A_38 = arith.constant 1 : i32
      %add3A_39 = arith.addi %add3A_21, %add3A_38 : i32
      %mul3A_40 = arith.constant 200 : i32
      %mul3A_41 = arith.muli %add3A_39, %mul3A_40 : i32
      %dma_start3A_42 = tpu.memref_slice %arg5[%mul3A_41] : memref<13000xi32, #tpu.memory_space<vmem>> -> memref<200xi32, #tpu.memory_space<vmem>>
      %dma_start3A_43 = arith.constant 0 : i32
      %dma_start3A_44 = arith.constant 0 : i32
      %dma_start3A_45 = tpu.memref_slice %arg2[%dma_start3A_43, %dma_start3A_44] : memref<50000x128xf32, #tpu.memory_space<hbm>> -> memref<50000x128xf32, #tpu.memory_space<hbm>>
      tpu.enqueue_indirect_dma source(%dma_start3A_45 : memref<50000x128xf32, #tpu.memory_space<hbm>>) target(%arg6 : memref<200x128xf32, #tpu.memory_space<vmem>>) offsets(%dma_start3A_42 : memref<200xi32, #tpu.memory_space<vmem>>) semaphore(%arg8 : memref<!tpu.dma_semaphore, #tpu.memory_space<semaphore_mem>>)
      %mul3A_46 = arith.constant 200 : i32
      %mul3A_47 = arith.muli %add3A_21, %mul3A_46 : i32
      %dma_wait3A_48 = tpu.memref_slice %arg5[%mul3A_47] : memref<13000xi32, #tpu.memory_space<vmem>> -> memref<200xi32, #tpu.memory_space<vmem>>
      %dma_wait3A_49 = arith.constant 0 : i32
      %dma_wait3A_50 = arith.constant 0 : i32
      %dma_wait3A_51 = tpu.memref_slice %arg2[%dma_wait3A_49, %dma_wait3A_50] : memref<50000x128xf32, #tpu.memory_space<hbm>> -> memref<50000x128xf32, #tpu.memory_space<hbm>>
      tpu.wait_indirect_dma semaphore(%arg9 : memref<!tpu.dma_semaphore, #tpu.memory_space<semaphore_mem>>) src(%dma_wait3A_51 : memref<50000x128xf32, #tpu.memory_space<hbm>>) dst(%arg7 : memref<200x128xf32, #tpu.memory_space<vmem>>)
      %mul3A_52 = arith.constant 200 : i32
      %mul3A_53 = arith.muli %add3A_21, %mul3A_52 : i32
      %add3A_54 = arith.addi %mul3A_2, %mul3A_53 : i32
      "tpu.region"() ({
        %run_scoped3A = tpu.sem_alloc : memref<!tpu.dma_semaphore, #tpu.memory_space<semaphore_mem>>
        %dma_start3A_55 = arith.constant 0 : i32
        %dma_start3A_56 = tpu.memref_slice %arg4[%add3A_54, %dma_start3A_55] : memref<416000x128xf32, #tpu.memory_space<hbm>> -> memref<200x128xf32, #tpu.memory_space<hbm>>
        %dma_start3A_57 = arith.constant 0 : i32
        %dma_start3A_58 = tpu.memref_slice %arg4[%add3A_54, %dma_start3A_57] : memref<416000x128xf32, #tpu.memory_space<hbm>> -> memref<200x128xf32, #tpu.memory_space<hbm>>
        tpu.enqueue_dma source(%arg7 : memref<200x128xf32, #tpu.memory_space<vmem>>) target(%dma_start3A_58 : memref<200x128xf32, #tpu.memory_space<hbm>>) target_semaphore(%run_scoped3A : memref<!tpu.dma_semaphore, #tpu.memory_space<semaphore_mem>>)
        %dma_wait3A_59 = arith.constant 0 : i32
        %dma_wait3A_60 = tpu.memref_slice %arg4[%add3A_54, %dma_wait3A_59] : memref<416000x128xf32, #tpu.memory_space<hbm>> -> memref<200x128xf32, #tpu.memory_space<hbm>>
        %dma_wait3A_61 = arith.constant 0 : i32
        %dma_wait3A_62 = tpu.memref_slice %arg4[%add3A_54, %dma_wait3A_61] : memref<416000x128xf32, #tpu.memory_space<hbm>> -> memref<200x128xf32, #tpu.memory_space<hbm>>
        tpu.wait_dma2 semaphore(%run_scoped3A : memref<!tpu.dma_semaphore, #tpu.memory_space<semaphore_mem>>) src(%arg7 : memref<200x128xf32, #tpu.memory_space<vmem>>) dst(%dma_wait3A_62 : memref<200x128xf32, #tpu.memory_space<hbm>>)
        tpu.yield
      }) : () -> ()
    }
    %scan3A_10 = arith.constant 32 : i32
    %dma_wait3A = arith.constant 12800 : i32
    %dma_wait3A_11 = tpu.memref_slice %arg5[%dma_wait3A] : memref<13000xi32, #tpu.memory_space<vmem>> -> memref<200xi32, #tpu.memory_space<vmem>>
    %dma_wait3A_12 = arith.constant 0 : i32
    %dma_wait3A_13 = arith.constant 0 : i32
    %dma_wait3A_14 = tpu.memref_slice %arg2[%dma_wait3A_12, %dma_wait3A_13] : memref<50000x128xf32, #tpu.memory_space<hbm>> -> memref<50000x128xf32, #tpu.memory_space<hbm>>
    tpu.wait_indirect_dma semaphore(%arg8 : memref<!tpu.dma_semaphore, #tpu.memory_space<semaphore_mem>>) src(%dma_wait3A_14 : memref<50000x128xf32, #tpu.memory_space<hbm>>) dst(%arg6 : memref<200x128xf32, #tpu.memory_space<vmem>>)
    %add3A_15 = arith.constant 12800 : i32
    %add3A_16 = arith.addi %mul3A_2, %add3A_15 : i32
    "tpu.region"() ({
      %run_scoped3A = tpu.sem_alloc : memref<!tpu.dma_semaphore, #tpu.memory_space<semaphore_mem>>
      %dma_start3A_17 = arith.constant 0 : i32
      %dma_start3A_18 = tpu.memref_slice %arg4[%add3A_16, %dma_start3A_17] : memref<416000x128xf32, #tpu.memory_space<hbm>> -> memref<200x128xf32, #tpu.memory_space<hbm>>
      %dma_start3A_19 = arith.constant 0 : i32
      %dma_start3A_20 = tpu.memref_slice %arg4[%add3A_16, %dma_start3A_19] : memref<416000x128xf32, #tpu.memory_space<hbm>> -> memref<200x128xf32, #tpu.memory_space<hbm>>
      tpu.enqueue_dma source(%arg6 : memref<200x128xf32, #tpu.memory_space<vmem>>) target(%dma_start3A_20 : memref<200x128xf32, #tpu.memory_space<hbm>>) target_semaphore(%run_scoped3A : memref<!tpu.dma_semaphore, #tpu.memory_space<semaphore_mem>>)
      %dma_wait3A_21 = arith.constant 0 : i32
      %dma_wait3A_22 = tpu.memref_slice %arg4[%add3A_16, %dma_wait3A_21] : memref<416000x128xf32, #tpu.memory_space<hbm>> -> memref<200x128xf32, #tpu.memory_space<hbm>>
      %dma_wait3A_23 = arith.constant 0 : i32
      %dma_wait3A_24 = tpu.memref_slice %arg4[%add3A_16, %dma_wait3A_23] : memref<416000x128xf32, #tpu.memory_space<hbm>> -> memref<200x128xf32, #tpu.memory_space<hbm>>
      tpu.wait_dma2 semaphore(%run_scoped3A : memref<!tpu.dma_semaphore, #tpu.memory_space<semaphore_mem>>) src(%arg6 : memref<200x128xf32, #tpu.memory_space<vmem>>) dst(%dma_wait3A_24 : memref<200x128xf32, #tpu.memory_space<hbm>>)
      tpu.yield
    }) : () -> ()
    return
  }
}

#map = affine_map<(d0, d1) -> (0, 0)>
#map1 = affine_map<(d0, d1) -> (0)>
module attributes {stable_mosaic.version = 14 : i64} {
  func.func @_sc_gather_body(%arg0: i32, %arg1: i32, %arg2: memref<50000x128xf32, #tpu.memory_space<hbm>>, %arg3: memref<384000xi32, #tpu.memory_space<hbm>>, %arg4: memref<384000x128xf32, #tpu.memory_space<hbm>>, %arg5: memref<12000xi32, #tpu.memory_space<vmem>>, %arg6: memref<200x128xf32, #tpu.memory_space<vmem>>, %arg7: memref<200x128xf32, #tpu.memory_space<vmem>>, %arg8: memref<!tpu.dma_semaphore, #tpu.memory_space<semaphore_mem>>, %arg9: memref<!tpu.dma_semaphore, #tpu.memory_space<semaphore_mem>>) attributes {dimension_semantics = [#tpu.dimension_semantics<core_parallel>, #tpu.dimension_semantics<subcore_parallel>], iteration_bounds = array<i64: 2, 16>, scalar_prefetch = 0 : i64, scratch_operands = 5 : i64, tpu.core_type = #tpu.core_type<sc_vector_subcore>, window_params = [{transform_indices = #map}, {transform_indices = #map1}, {transform_indices = #map}]} {
    %mul3A = arith.constant 2 : i32
    %mul3A_0 = arith.muli %arg1, %mul3A : i32
    %add3A = arith.addi %mul3A_0, %arg0 : i32
    %mul3A_1 = arith.constant 12000 : i32
    %mul3A_2 = arith.muli %add3A, %mul3A_1 : i32
    "tpu.region"() ({
      %run_scoped3A = tpu.sem_alloc : memref<!tpu.dma_semaphore, #tpu.memory_space<semaphore_mem>>
      %dma_start3A_29 = tpu.memref_slice %arg3[%mul3A_2] : memref<384000xi32, #tpu.memory_space<hbm>> -> memref<12000xi32, #tpu.memory_space<hbm>>
      %dma_start3A_30 = tpu.memref_slice %arg3[%mul3A_2] : memref<384000xi32, #tpu.memory_space<hbm>> -> memref<12000xi32, #tpu.memory_space<hbm>>
      tpu.enqueue_dma source(%dma_start3A_30 : memref<12000xi32, #tpu.memory_space<hbm>>) target(%arg5 : memref<12000xi32, #tpu.memory_space<vmem>>) target_semaphore(%run_scoped3A : memref<!tpu.dma_semaphore, #tpu.memory_space<semaphore_mem>>)
      %dma_wait3A_31 = tpu.memref_slice %arg3[%mul3A_2] : memref<384000xi32, #tpu.memory_space<hbm>> -> memref<12000xi32, #tpu.memory_space<hbm>>
      %dma_wait3A_32 = tpu.memref_slice %arg3[%mul3A_2] : memref<384000xi32, #tpu.memory_space<hbm>> -> memref<12000xi32, #tpu.memory_space<hbm>>
      tpu.wait_dma2 semaphore(%run_scoped3A : memref<!tpu.dma_semaphore, #tpu.memory_space<semaphore_mem>>) src(%dma_wait3A_32 : memref<12000xi32, #tpu.memory_space<hbm>>) dst(%arg5 : memref<12000xi32, #tpu.memory_space<vmem>>)
      tpu.yield
    }) : () -> ()
    %dma_start3A = arith.constant 0 : i32
    %dma_start3A_3 = tpu.memref_slice %arg5[%dma_start3A] : memref<12000xi32, #tpu.memory_space<vmem>> -> memref<200xi32, #tpu.memory_space<vmem>>
    %dma_start3A_4 = arith.constant 0 : i32
    %dma_start3A_5 = arith.constant 0 : i32
    %dma_start3A_6 = tpu.memref_slice %arg2[%dma_start3A_4, %dma_start3A_5] : memref<50000x128xf32, #tpu.memory_space<hbm>> -> memref<50000x128xf32, #tpu.memory_space<hbm>>
    tpu.enqueue_indirect_dma source(%dma_start3A_6 : memref<50000x128xf32, #tpu.memory_space<hbm>>) target(%arg6 : memref<200x128xf32, #tpu.memory_space<vmem>>) offsets(%dma_start3A_3 : memref<200xi32, #tpu.memory_space<vmem>>) semaphore(%arg8 : memref<!tpu.dma_semaphore, #tpu.memory_space<semaphore_mem>>)
    %scan3A = arith.constant 0 : i32
    %scan3A_7 = arith.constant 29 : i32
    %scan3A_8 = arith.addi %scan3A, %scan3A_7 : i32
    %scan3A_9 = arith.constant 1 : i32
    scf.for %scan3A_29 = %scan3A to %scan3A_8 step %scan3A_9  : i32 {
      %mul3A_30 = arith.constant 2 : i32
      %mul3A_31 = arith.muli %scan3A_29, %mul3A_30 : i32
      %add3A_32 = arith.constant 1 : i32
      %add3A_33 = arith.addi %add3A_32, %mul3A_31 : i32
      %mul3A_34 = arith.constant 200 : i32
      %mul3A_35 = arith.muli %add3A_33, %mul3A_34 : i32
      %dma_start3A_36 = tpu.memref_slice %arg5[%mul3A_35] : memref<12000xi32, #tpu.memory_space<vmem>> -> memref<200xi32, #tpu.memory_space<vmem>>
      %dma_start3A_37 = arith.constant 0 : i32
      %dma_start3A_38 = arith.constant 0 : i32
      %dma_start3A_39 = tpu.memref_slice %arg2[%dma_start3A_37, %dma_start3A_38] : memref<50000x128xf32, #tpu.memory_space<hbm>> -> memref<50000x128xf32, #tpu.memory_space<hbm>>
      tpu.enqueue_indirect_dma source(%dma_start3A_39 : memref<50000x128xf32, #tpu.memory_space<hbm>>) target(%arg7 : memref<200x128xf32, #tpu.memory_space<vmem>>) offsets(%dma_start3A_36 : memref<200xi32, #tpu.memory_space<vmem>>) semaphore(%arg9 : memref<!tpu.dma_semaphore, #tpu.memory_space<semaphore_mem>>)
      %sub3A = arith.constant 1 : i32
      %sub3A_40 = arith.subi %add3A_33, %sub3A : i32
      %mul3A_41 = arith.constant 200 : i32
      %mul3A_42 = arith.muli %sub3A_40, %mul3A_41 : i32
      %dma_wait3A_43 = tpu.memref_slice %arg5[%mul3A_42] : memref<12000xi32, #tpu.memory_space<vmem>> -> memref<200xi32, #tpu.memory_space<vmem>>
      %dma_wait3A_44 = arith.constant 0 : i32
      %dma_wait3A_45 = arith.constant 0 : i32
      %dma_wait3A_46 = tpu.memref_slice %arg2[%dma_wait3A_44, %dma_wait3A_45] : memref<50000x128xf32, #tpu.memory_space<hbm>> -> memref<50000x128xf32, #tpu.memory_space<hbm>>
      tpu.wait_indirect_dma semaphore(%arg8 : memref<!tpu.dma_semaphore, #tpu.memory_space<semaphore_mem>>) src(%dma_wait3A_46 : memref<50000x128xf32, #tpu.memory_space<hbm>>) dst(%arg6 : memref<200x128xf32, #tpu.memory_space<vmem>>)
      %mul3A_47 = arith.constant 200 : i32
      %mul3A_48 = arith.muli %sub3A_40, %mul3A_47 : i32
      %add3A_49 = arith.addi %mul3A_2, %mul3A_48 : i32
      "tpu.region"() ({
        %run_scoped3A = tpu.sem_alloc : memref<!tpu.dma_semaphore, #tpu.memory_space<semaphore_mem>>
        %dma_start3A_67 = arith.constant 0 : i32
        %dma_start3A_68 = tpu.memref_slice %arg4[%add3A_49, %dma_start3A_67] : memref<384000x128xf32, #tpu.memory_space<hbm>> -> memref<200x128xf32, #tpu.memory_space<hbm>>
        %dma_start3A_69 = arith.constant 0 : i32
        %dma_start3A_70 = tpu.memref_slice %arg4[%add3A_49, %dma_start3A_69] : memref<384000x128xf32, #tpu.memory_space<hbm>> -> memref<200x128xf32, #tpu.memory_space<hbm>>
        tpu.enqueue_dma source(%arg6 : memref<200x128xf32, #tpu.memory_space<vmem>>) target(%dma_start3A_70 : memref<200x128xf32, #tpu.memory_space<hbm>>) target_semaphore(%run_scoped3A : memref<!tpu.dma_semaphore, #tpu.memory_space<semaphore_mem>>)
        %dma_wait3A_71 = arith.constant 0 : i32
        %dma_wait3A_72 = tpu.memref_slice %arg4[%add3A_49, %dma_wait3A_71] : memref<384000x128xf32, #tpu.memory_space<hbm>> -> memref<200x128xf32, #tpu.memory_space<hbm>>
        %dma_wait3A_73 = arith.constant 0 : i32
        %dma_wait3A_74 = tpu.memref_slice %arg4[%add3A_49, %dma_wait3A_73] : memref<384000x128xf32, #tpu.memory_space<hbm>> -> memref<200x128xf32, #tpu.memory_space<hbm>>
        tpu.wait_dma2 semaphore(%run_scoped3A : memref<!tpu.dma_semaphore, #tpu.memory_space<semaphore_mem>>) src(%arg6 : memref<200x128xf32, #tpu.memory_space<vmem>>) dst(%dma_wait3A_74 : memref<200x128xf32, #tpu.memory_space<hbm>>)
        tpu.yield
      }) : () -> ()
      %add3A_50 = arith.constant 1 : i32
      %add3A_51 = arith.addi %add3A_33, %add3A_50 : i32
      %mul3A_52 = arith.constant 200 : i32
      %mul3A_53 = arith.muli %add3A_51, %mul3A_52 : i32
      %dma_start3A_54 = tpu.memref_slice %arg5[%mul3A_53] : memref<12000xi32, #tpu.memory_space<vmem>> -> memref<200xi32, #tpu.memory_space<vmem>>
      %dma_start3A_55 = arith.constant 0 : i32
      %dma_start3A_56 = arith.constant 0 : i32
      %dma_start3A_57 = tpu.memref_slice %arg2[%dma_start3A_55, %dma_start3A_56] : memref<50000x128xf32, #tpu.memory_space<hbm>> -> memref<50000x128xf32, #tpu.memory_space<hbm>>
      tpu.enqueue_indirect_dma source(%dma_start3A_57 : memref<50000x128xf32, #tpu.memory_space<hbm>>) target(%arg6 : memref<200x128xf32, #tpu.memory_space<vmem>>) offsets(%dma_start3A_54 : memref<200xi32, #tpu.memory_space<vmem>>) semaphore(%arg8 : memref<!tpu.dma_semaphore, #tpu.memory_space<semaphore_mem>>)
      %mul3A_58 = arith.constant 200 : i32
      %mul3A_59 = arith.muli %add3A_33, %mul3A_58 : i32
      %dma_wait3A_60 = tpu.memref_slice %arg5[%mul3A_59] : memref<12000xi32, #tpu.memory_space<vmem>> -> memref<200xi32, #tpu.memory_space<vmem>>
      %dma_wait3A_61 = arith.constant 0 : i32
      %dma_wait3A_62 = arith.constant 0 : i32
      %dma_wait3A_63 = tpu.memref_slice %arg2[%dma_wait3A_61, %dma_wait3A_62] : memref<50000x128xf32, #tpu.memory_space<hbm>> -> memref<50000x128xf32, #tpu.memory_space<hbm>>
      tpu.wait_indirect_dma semaphore(%arg9 : memref<!tpu.dma_semaphore, #tpu.memory_space<semaphore_mem>>) src(%dma_wait3A_63 : memref<50000x128xf32, #tpu.memory_space<hbm>>) dst(%arg7 : memref<200x128xf32, #tpu.memory_space<vmem>>)
      %mul3A_64 = arith.constant 200 : i32
      %mul3A_65 = arith.muli %add3A_33, %mul3A_64 : i32
      %add3A_66 = arith.addi %mul3A_2, %mul3A_65 : i32
      "tpu.region"() ({
        %run_scoped3A = tpu.sem_alloc : memref<!tpu.dma_semaphore, #tpu.memory_space<semaphore_mem>>
        %dma_start3A_67 = arith.constant 0 : i32
        %dma_start3A_68 = tpu.memref_slice %arg4[%add3A_66, %dma_start3A_67] : memref<384000x128xf32, #tpu.memory_space<hbm>> -> memref<200x128xf32, #tpu.memory_space<hbm>>
        %dma_start3A_69 = arith.constant 0 : i32
        %dma_start3A_70 = tpu.memref_slice %arg4[%add3A_66, %dma_start3A_69] : memref<384000x128xf32, #tpu.memory_space<hbm>> -> memref<200x128xf32, #tpu.memory_space<hbm>>
        tpu.enqueue_dma source(%arg7 : memref<200x128xf32, #tpu.memory_space<vmem>>) target(%dma_start3A_70 : memref<200x128xf32, #tpu.memory_space<hbm>>) target_semaphore(%run_scoped3A : memref<!tpu.dma_semaphore, #tpu.memory_space<semaphore_mem>>)
        %dma_wait3A_71 = arith.constant 0 : i32
        %dma_wait3A_72 = tpu.memref_slice %arg4[%add3A_66, %dma_wait3A_71] : memref<384000x128xf32, #tpu.memory_space<hbm>> -> memref<200x128xf32, #tpu.memory_space<hbm>>
        %dma_wait3A_73 = arith.constant 0 : i32
        %dma_wait3A_74 = tpu.memref_slice %arg4[%add3A_66, %dma_wait3A_73] : memref<384000x128xf32, #tpu.memory_space<hbm>> -> memref<200x128xf32, #tpu.memory_space<hbm>>
        tpu.wait_dma2 semaphore(%run_scoped3A : memref<!tpu.dma_semaphore, #tpu.memory_space<semaphore_mem>>) src(%arg7 : memref<200x128xf32, #tpu.memory_space<vmem>>) dst(%dma_wait3A_74 : memref<200x128xf32, #tpu.memory_space<hbm>>)
        tpu.yield
      }) : () -> ()
    }
    %scan3A_10 = arith.constant 29 : i32
    %dma_start3A_11 = arith.constant 11800 : i32
    %dma_start3A_12 = tpu.memref_slice %arg5[%dma_start3A_11] : memref<12000xi32, #tpu.memory_space<vmem>> -> memref<200xi32, #tpu.memory_space<vmem>>
    %dma_start3A_13 = arith.constant 0 : i32
    %dma_start3A_14 = arith.constant 0 : i32
    %dma_start3A_15 = tpu.memref_slice %arg2[%dma_start3A_13, %dma_start3A_14] : memref<50000x128xf32, #tpu.memory_space<hbm>> -> memref<50000x128xf32, #tpu.memory_space<hbm>>
    tpu.enqueue_indirect_dma source(%dma_start3A_15 : memref<50000x128xf32, #tpu.memory_space<hbm>>) target(%arg7 : memref<200x128xf32, #tpu.memory_space<vmem>>) offsets(%dma_start3A_12 : memref<200xi32, #tpu.memory_space<vmem>>) semaphore(%arg9 : memref<!tpu.dma_semaphore, #tpu.memory_space<semaphore_mem>>)
    %dma_wait3A = arith.constant 11600 : i32
    %dma_wait3A_16 = tpu.memref_slice %arg5[%dma_wait3A] : memref<12000xi32, #tpu.memory_space<vmem>> -> memref<200xi32, #tpu.memory_space<vmem>>
    %dma_wait3A_17 = arith.constant 0 : i32
    %dma_wait3A_18 = arith.constant 0 : i32
    %dma_wait3A_19 = tpu.memref_slice %arg2[%dma_wait3A_17, %dma_wait3A_18] : memref<50000x128xf32, #tpu.memory_space<hbm>> -> memref<50000x128xf32, #tpu.memory_space<hbm>>
    tpu.wait_indirect_dma semaphore(%arg8 : memref<!tpu.dma_semaphore, #tpu.memory_space<semaphore_mem>>) src(%dma_wait3A_19 : memref<50000x128xf32, #tpu.memory_space<hbm>>) dst(%arg6 : memref<200x128xf32, #tpu.memory_space<vmem>>)
    %add3A_20 = arith.constant 11600 : i32
    %add3A_21 = arith.addi %mul3A_2, %add3A_20 : i32
    "tpu.region"() ({
      %run_scoped3A = tpu.sem_alloc : memref<!tpu.dma_semaphore, #tpu.memory_space<semaphore_mem>>
      %dma_start3A_29 = arith.constant 0 : i32
      %dma_start3A_30 = tpu.memref_slice %arg4[%add3A_21, %dma_start3A_29] : memref<384000x128xf32, #tpu.memory_space<hbm>> -> memref<200x128xf32, #tpu.memory_space<hbm>>
      %dma_start3A_31 = arith.constant 0 : i32
      %dma_start3A_32 = tpu.memref_slice %arg4[%add3A_21, %dma_start3A_31] : memref<384000x128xf32, #tpu.memory_space<hbm>> -> memref<200x128xf32, #tpu.memory_space<hbm>>
      tpu.enqueue_dma source(%arg6 : memref<200x128xf32, #tpu.memory_space<vmem>>) target(%dma_start3A_32 : memref<200x128xf32, #tpu.memory_space<hbm>>) target_semaphore(%run_scoped3A : memref<!tpu.dma_semaphore, #tpu.memory_space<semaphore_mem>>)
      %dma_wait3A_33 = arith.constant 0 : i32
      %dma_wait3A_34 = tpu.memref_slice %arg4[%add3A_21, %dma_wait3A_33] : memref<384000x128xf32, #tpu.memory_space<hbm>> -> memref<200x128xf32, #tpu.memory_space<hbm>>
      %dma_wait3A_35 = arith.constant 0 : i32
      %dma_wait3A_36 = tpu.memref_slice %arg4[%add3A_21, %dma_wait3A_35] : memref<384000x128xf32, #tpu.memory_space<hbm>> -> memref<200x128xf32, #tpu.memory_space<hbm>>
      tpu.wait_dma2 semaphore(%run_scoped3A : memref<!tpu.dma_semaphore, #tpu.memory_space<semaphore_mem>>) src(%arg6 : memref<200x128xf32, #tpu.memory_space<vmem>>) dst(%dma_wait3A_36 : memref<200x128xf32, #tpu.memory_space<hbm>>)
      tpu.yield
    }) : () -> ()
    %dma_wait3A_22 = arith.constant 11800 : i32
    %dma_wait3A_23 = tpu.memref_slice %arg5[%dma_wait3A_22] : memref<12000xi32, #tpu.memory_space<vmem>> -> memref<200xi32, #tpu.memory_space<vmem>>
    %dma_wait3A_24 = arith.constant 0 : i32
    %dma_wait3A_25 = arith.constant 0 : i32
    %dma_wait3A_26 = tpu.memref_slice %arg2[%dma_wait3A_24, %dma_wait3A_25] : memref<50000x128xf32, #tpu.memory_space<hbm>> -> memref<50000x128xf32, #tpu.memory_space<hbm>>
    tpu.wait_indirect_dma semaphore(%arg9 : memref<!tpu.dma_semaphore, #tpu.memory_space<semaphore_mem>>) src(%dma_wait3A_26 : memref<50000x128xf32, #tpu.memory_space<hbm>>) dst(%arg7 : memref<200x128xf32, #tpu.memory_space<vmem>>)
    %add3A_27 = arith.constant 11800 : i32
    %add3A_28 = arith.addi %mul3A_2, %add3A_27 : i32
    "tpu.region"() ({
      %run_scoped3A = tpu.sem_alloc : memref<!tpu.dma_semaphore, #tpu.memory_space<semaphore_mem>>
      %dma_start3A_29 = arith.constant 0 : i32
      %dma_start3A_30 = tpu.memref_slice %arg4[%add3A_28, %dma_start3A_29] : memref<384000x128xf32, #tpu.memory_space<hbm>> -> memref<200x128xf32, #tpu.memory_space<hbm>>
      %dma_start3A_31 = arith.constant 0 : i32
      %dma_start3A_32 = tpu.memref_slice %arg4[%add3A_28, %dma_start3A_31] : memref<384000x128xf32, #tpu.memory_space<hbm>> -> memref<200x128xf32, #tpu.memory_space<hbm>>
      tpu.enqueue_dma source(%arg7 : memref<200x128xf32, #tpu.memory_space<vmem>>) target(%dma_start3A_32 : memref<200x128xf32, #tpu.memory_space<hbm>>) target_semaphore(%run_scoped3A : memref<!tpu.dma_semaphore, #tpu.memory_space<semaphore_mem>>)
      %dma_wait3A_33 = arith.constant 0 : i32
      %dma_wait3A_34 = tpu.memref_slice %arg4[%add3A_28, %dma_wait3A_33] : memref<384000x128xf32, #tpu.memory_space<hbm>> -> memref<200x128xf32, #tpu.memory_space<hbm>>
      %dma_wait3A_35 = arith.constant 0 : i32
      %dma_wait3A_36 = tpu.memref_slice %arg4[%add3A_28, %dma_wait3A_35] : memref<384000x128xf32, #tpu.memory_space<hbm>> -> memref<200x128xf32, #tpu.memory_space<hbm>>
      tpu.wait_dma2 semaphore(%run_scoped3A : memref<!tpu.dma_semaphore, #tpu.memory_space<semaphore_mem>>) src(%arg7 : memref<200x128xf32, #tpu.memory_space<vmem>>) dst(%dma_wait3A_36 : memref<200x128xf32, #tpu.memory_space<hbm>>)
      tpu.yield
    }) : () -> ()
    return
  }
}

module attributes {stable_mosaic.version = 14 : i64} {
  func.func @_table_body(%arg0: i32, %arg1: memref<1000x64xf32, #tpu.memory_space<vmem>>, %arg2: memref<1000x3xf32, #tpu.memory_space<vmem>>, %arg3: memref<1000x3xf32, #tpu.memory_space<vmem>>, %arg4: memref<3x32xf32, #tpu.memory_space<vmem>>, %arg5: memref<1x32xf32, #tpu.memory_space<vmem>>, %arg6: memref<1000x128xf32, #tpu.memory_space<vmem>>, %arg7: memref<1000x32xf32, #tpu.memory_space<vmem>>) attributes {dimension_semantics = [#tpu.dimension_semantics<arbitrary>], iteration_bounds = array<i64: 50>, scalar_prefetch = 0 : i64, scratch_operands = 0 : i64, tpu.core_type = #tpu.core_type<tc>, window_params = [{transform_indices = @transform_0, window_bounds = array<i64: 1000, 64>}, {transform_indices = @transform_1, window_bounds = array<i64: 1000, 3>}, {transform_indices = @transform_2, window_bounds = array<i64: 1000, 3>}, {pipeline_mode = #tpu.pipeline_mode<synchronous>, transform_indices = @transform_3, window_bounds = array<i64: 3, 32>}, {pipeline_mode = #tpu.pipeline_mode<synchronous>, transform_indices = @transform_4, window_bounds = array<i64: 1, 32>}, {transform_indices = @transform_5, window_bounds = array<i64: 1000, 128>}, {transform_indices = @transform_6, window_bounds = array<i64: 1000, 32>}]} {
    %get3A = arith.constant 0 : index
    %get3A_0 = arith.constant 0 : index
    %get3A_1 = vector.load %arg2[%get3A, %get3A_0] : memref<1000x3xf32, #tpu.memory_space<vmem>>, vector<1000x3xf32>
    %get3A_2 = arith.constant 0 : index
    %get3A_3 = arith.constant 0 : index
    %get3A_4 = vector.load %arg4[%get3A_2, %get3A_3] : memref<3x32xf32, #tpu.memory_space<vmem>>, vector<3x32xf32>
    %dot_general3A = arith.constant dense<0.000000e+00> : vector<1000x32xf32>
    %dot_general3A_5 = tpu.matmul %get3A_1, %get3A_4, %dot_general3A {dimension_numbers = #tpu.dot_dimension_numbers<[1], [0], [0], [1], [0, 0, 1, 1], [], []>, transpose_lhs_hint = false} : vector<1000x3xf32>, vector<3x32xf32>, vector<1000x32xf32> -> vector<1000x32xf32>
    %broadcast_in_dim3A = arith.constant 0.000000e+00 : f32
    %broadcast_in_dim3A_6 = vector.broadcast %broadcast_in_dim3A : f32 to vector<1000x32xf32>
    %get3A_7 = arith.constant 0 : index
    %get3A_8 = arith.constant 0 : index
    %get3A_9 = vector.load %arg1[%get3A_7, %get3A_8] : memref<1000x64xf32, #tpu.memory_space<vmem>>, vector<1000x64xf32>
    %concatenate3A = tpu.concatenate %get3A_9, %dot_general3A_5, %broadcast_in_dim3A_6 in 1 : vector<1000x64xf32>, vector<1000x32xf32>, vector<1000x32xf32> -> vector<1000x128xf32>
    %swap3A = arith.constant 0 : index
    %swap3A_10 = arith.constant 0 : index
    %swap3A_11 = vector.load %arg6[%swap3A, %swap3A_10] : memref<1000x128xf32, #tpu.memory_space<vmem>>, vector<1000x128xf32>
    tpu.vector_store %arg6[%swap3A, %swap3A_10], %concatenate3A {strides = array<i32>} : memref<1000x128xf32, #tpu.memory_space<vmem>>, vector<1000x128xf32>,
    %get3A_12 = arith.constant 0 : index
    %get3A_13 = arith.constant 0 : index
    %get3A_14 = vector.load %arg3[%get3A_12, %get3A_13] : memref<1000x3xf32, #tpu.memory_space<vmem>>, vector<1000x3xf32>
    %get3A_15 = arith.constant 0 : index
    %get3A_16 = arith.constant 0 : index
    %get3A_17 = vector.load %arg4[%get3A_15, %get3A_16] : memref<3x32xf32, #tpu.memory_space<vmem>>, vector<3x32xf32>
    %dot_general3A_18 = arith.constant dense<0.000000e+00> : vector<1000x32xf32>
    %dot_general3A_19 = tpu.matmul %get3A_14, %get3A_17, %dot_general3A_18 {dimension_numbers = #tpu.dot_dimension_numbers<[1], [0], [0], [1], [0, 0, 1, 1], [], []>, transpose_lhs_hint = false} : vector<1000x3xf32>, vector<3x32xf32>, vector<1000x32xf32> -> vector<1000x32xf32>
    %get3A_20 = arith.constant 0 : index
    %get3A_21 = arith.constant 0 : index
    %get3A_22 = vector.load %arg5[%get3A_20, %get3A_21] : memref<1x32xf32, #tpu.memory_space<vmem>>, vector<1x32xf32>
    %sub3A = vector.broadcast %get3A_22 : vector<1x32xf32> to vector<1000x32xf32>
    %sub3A_23 = arith.subf %dot_general3A_19, %sub3A : vector<1000x32xf32>
    %swap3A_24 = arith.constant 0 : index
    %swap3A_25 = arith.constant 0 : index
    %swap3A_26 = vector.load %arg7[%swap3A_24, %swap3A_25] : memref<1000x32xf32, #tpu.memory_space<vmem>>, vector<1000x32xf32>
    tpu.vector_store %arg7[%swap3A_24, %swap3A_25], %sub3A_23 {strides = array<i32>} : memref<1000x32xf32, #tpu.memory_space<vmem>>, vector<1000x32xf32>,
    return
  }
  func.func @transform_0(%arg0: i32) -> (i32, i32) {
    %c0_i32 = arith.constant 0 : i32
    %c0_i32_0 = arith.constant 0 : i32
    return %arg0, %c0_i32 : i32, i32
  }
  func.func @transform_1(%arg0: i32) -> (i32, i32) {
    %c0_i32 = arith.constant 0 : i32
    %c0_i32_0 = arith.constant 0 : i32
    return %arg0, %c0_i32 : i32, i32
  }
  func.func @transform_2(%arg0: i32) -> (i32, i32) {
    %c0_i32 = arith.constant 0 : i32
    %c0_i32_0 = arith.constant 0 : i32
    return %arg0, %c0_i32 : i32, i32
  }
  func.func @transform_3(%arg0: i32) -> (i32, i32) {
    %c0_i32 = arith.constant 0 : i32
    %c0_i32_0 = arith.constant 0 : i32
    %c0_i32_1 = arith.constant 0 : i32
    return %c0_i32, %c0_i32_0 : i32, i32
  }
  func.func @transform_4(%arg0: i32) -> (i32, i32) {
    %c0_i32 = arith.constant 0 : i32
    %c0_i32_0 = arith.constant 0 : i32
    %c0_i32_1 = arith.constant 0 : i32
    return %c0_i32, %c0_i32_0 : i32, i32
  }
  func.func @transform_5(%arg0: i32) -> (i32, i32) {
    %c0_i32 = arith.constant 0 : i32
    %c0_i32_0 = arith.constant 0 : i32
    return %arg0, %c0_i32 : i32, i32
  }
  func.func @transform_6(%arg0: i32) -> (i32, i32) {
    %c0_i32 = arith.constant 0 : i32
    %c0_i32_0 = arith.constant 0 : i32
    return %arg0, %c0_i32 : i32, i32
  }
}

module attributes {stable_mosaic.version = 14 : i64} {
  func.func @_block_kernel(%arg0: i32, %arg1: memref<6400x128xf32, #tpu.memory_space<vmem>>, %arg2: memref<400x32xf32, #tpu.memory_space<vmem>>, %arg3: memref<32x16xf32, #tpu.memory_space<vmem>>, %arg4: memref<1x16xf32, #tpu.memory_space<vmem>>, %arg5: memref<16x16xf32, #tpu.memory_space<vmem>>, %arg6: memref<1x16xf32, #tpu.memory_space<vmem>>, %arg7: memref<8x128x64xf32, #tpu.memory_space<vmem>>, %arg8: memref<1x64xf32, #tpu.memory_space<vmem>>, %arg9: memref<400x64xf32, #tpu.memory_space<vmem>>) attributes {dimension_semantics = [#tpu.dimension_semantics<arbitrary>], iteration_bounds = array<i64: 65>, scalar_prefetch = 0 : i64, scratch_operands = 0 : i64, tpu.core_type = #tpu.core_type<tc>, window_params = [{transform_indices = @transform_0, window_bounds = array<i64: 6400, 128>}, {transform_indices = @transform_1, window_bounds = array<i64: 400, 32>}, {pipeline_mode = #tpu.pipeline_mode<synchronous>, transform_indices = @transform_2, window_bounds = array<i64: 32, 16>}, {pipeline_mode = #tpu.pipeline_mode<synchronous>, transform_indices = @transform_3, window_bounds = array<i64: 1, 16>}, {pipeline_mode = #tpu.pipeline_mode<synchronous>, transform_indices = @transform_4, window_bounds = array<i64: 16, 16>}, {pipeline_mode = #tpu.pipeline_mode<synchronous>, transform_indices = @transform_5, window_bounds = array<i64: 1, 16>}, {pipeline_mode = #tpu.pipeline_mode<synchronous>, transform_indices = @transform_6, window_bounds = array<i64: 8, 128, 64>}, {pipeline_mode = #tpu.pipeline_mode<synchronous>, transform_indices = @transform_7, window_bounds = array<i64: 1, 64>}, {transform_indices = @transform_8, window_bounds = array<i64: 400, 64>}]} {
    %get3A = arith.constant 0 : index
    %get3A_0 = arith.constant 64 : index
    %get3A_1 = vector.load %arg1[%get3A, %get3A_0] : memref<6400x128xf32, #tpu.memory_space<vmem>>, vector<6400x32xf32>
    %get3A_2 = arith.constant 0 : index
    %get3A_3 = arith.constant 0 : index
    %get3A_4 = vector.load %arg2[%get3A_2, %get3A_3] : memref<400x32xf32, #tpu.memory_space<vmem>>, vector<400x32xf32>
    %broadcast_in_dim3A = vector.shape_cast %get3A_4 : vector<400x32xf32> to vector<400x1x32xf32>
    %broadcast_in_dim3A_5 = vector.shape_cast %broadcast_in_dim3A : vector<400x1x32xf32> to vector<400x1x32xf32>
    %broadcast_in_dim3A_6 = vector.broadcast %broadcast_in_dim3A_5 : vector<400x1x32xf32> to vector<400x16x32xf32>
    %reshape3A = vector.shape_cast %broadcast_in_dim3A_6 : vector<400x16x32xf32> to vector<6400x32xf32>
    %sub3A = arith.subf %get3A_1, %reshape3A : vector<6400x32xf32>
    %max3A = arith.constant 0.000000e+00 : f32
    %max3A_7 = vector.broadcast %max3A : f32 to vector<6400x32xf32>
    %max3A_8 = arith.maximumf %sub3A, %max3A_7 : vector<6400x32xf32>
    %get3A_9 = arith.constant 0 : index
    %get3A_10 = arith.constant 0 : index
    %get3A_11 = vector.load %arg3[%get3A_9, %get3A_10] : memref<32x16xf32, #tpu.memory_space<vmem>>, vector<32x16xf32>
    %dot_general3A = arith.constant dense<0.000000e+00> : vector<6400x16xf32>
    %dot_general3A_12 = tpu.matmul %max3A_8, %get3A_11, %dot_general3A {dimension_numbers = #tpu.dot_dimension_numbers<[1], [0], [0], [1], [0, 0, 1, 1], [], []>, transpose_lhs_hint = false} : vector<6400x32xf32>, vector<32x16xf32>, vector<6400x16xf32> -> vector<6400x16xf32>
    %get3A_13 = arith.constant 0 : index
    %get3A_14 = arith.constant 0 : index
    %get3A_15 = vector.load %arg4[%get3A_13, %get3A_14] : memref<1x16xf32, #tpu.memory_space<vmem>>, vector<1x16xf32>
    %add3A = vector.broadcast %get3A_15 : vector<1x16xf32> to vector<6400x16xf32>
    %add3A_16 = arith.addf %dot_general3A_12, %add3A : vector<6400x16xf32>
    %max3A_17 = arith.constant 0.000000e+00 : f32
    %max3A_18 = vector.broadcast %max3A_17 : f32 to vector<6400x16xf32>
    %max3A_19 = arith.maximumf %add3A_16, %max3A_18 : vector<6400x16xf32>
    %get3A_20 = arith.constant 0 : index
    %get3A_21 = arith.constant 0 : index
    %get3A_22 = vector.load %arg5[%get3A_20, %get3A_21] : memref<16x16xf32, #tpu.memory_space<vmem>>, vector<16x16xf32>
    %dot_general3A_23 = arith.constant dense<0.000000e+00> : vector<6400x16xf32>
    %dot_general3A_24 = tpu.matmul %max3A_19, %get3A_22, %dot_general3A_23 {dimension_numbers = #tpu.dot_dimension_numbers<[1], [0], [0], [1], [0, 0, 1, 1], [], []>, transpose_lhs_hint = false} : vector<6400x16xf32>, vector<16x16xf32>, vector<6400x16xf32> -> vector<6400x16xf32>
    %get3A_25 = arith.constant 0 : index
    %get3A_26 = arith.constant 0 : index
    %get3A_27 = vector.load %arg6[%get3A_25, %get3A_26] : memref<1x16xf32, #tpu.memory_space<vmem>>, vector<1x16xf32>
    %add3A_28 = vector.broadcast %get3A_27 : vector<1x16xf32> to vector<6400x16xf32>
    %add3A_29 = arith.addf %dot_general3A_24, %add3A_28 : vector<6400x16xf32>
    %max3A_30 = arith.constant 0.000000e+00 : f32
    %max3A_31 = vector.broadcast %max3A_30 : f32 to vector<6400x16xf32>
    %max3A_32 = arith.maximumf %add3A_29, %max3A_31 : vector<6400x16xf32>
    %get3A_33 = arith.constant 0 : index
    %get3A_34 = arith.constant 0 : index
    %get3A_35 = vector.load %arg1[%get3A_33, %get3A_34] : memref<6400x128xf32, #tpu.memory_space<vmem>>, vector<6400x64xf32>
    %tile3A = tpu.concatenate %get3A_35, %get3A_35 in 1 : vector<6400x64xf32>, vector<6400x64xf32> -> vector<6400x128xf32>
    %iota3A = tpu.iota {dimensions = array<i32: 0>} : vector<16x128xi32>
    %iota3A_36 = tpu.iota {dimensions = array<i32: 1>} : vector<16x128xi32>
    %jit3A = arith.constant 64 : i32
    %div3A = vector.broadcast %jit3A : i32 to vector<16x128xi32>
    %div3A_37 = arith.divsi %iota3A_36, %div3A : vector<16x128xi32>
    %sign3A = arith.constant 0 : i32
    %sign3A_38 = vector.broadcast %sign3A : i32 to vector<16x128xi32>
    %sign3A_39 = arith.cmpi sgt, %iota3A_36, %sign3A_38 : vector<16x128xi32>
    %sign3A_40 = arith.extui %sign3A_39 : vector<16x128xi1> to vector<16x128xi32>
    %sign3A_41 = arith.constant 0 : i32
    %sign3A_42 = vector.broadcast %sign3A_41 : i32 to vector<16x128xi32>
    %sign3A_43 = arith.cmpi slt, %iota3A_36, %sign3A_42 : vector<16x128xi32>
    %sign3A_44 = arith.extui %sign3A_43 : vector<16x128xi1> to vector<16x128xi32>
    %sign3A_45 = arith.subi %sign3A_40, %sign3A_44 : vector<16x128xi32>
    %sign3A_46 = arith.constant 0 : i32
    %sign3A_47 = arith.cmpi sgt, %jit3A, %sign3A_46 : i32
    %sign3A_48 = arith.extui %sign3A_47 : i1 to i32
    %sign3A_49 = arith.constant 0 : i32
    %sign3A_50 = arith.cmpi slt, %jit3A, %sign3A_49 : i32
    %sign3A_51 = arith.extui %sign3A_50 : i1 to i32
    %sign3A_52 = arith.subi %sign3A_48, %sign3A_51 : i32
    %ne3A = vector.broadcast %sign3A_52 : i32 to vector<16x128xi32>
    %ne3A_53 = arith.cmpi ne, %sign3A_45, %ne3A : vector<16x128xi32>
    %rem3A = vector.broadcast %jit3A : i32 to vector<16x128xi32>
    %rem3A_54 = arith.remsi %iota3A_36, %rem3A : vector<16x128xi32>
    %ne3A_55 = arith.constant 0 : i32
    %ne3A_56 = vector.broadcast %ne3A_55 : i32 to vector<16x128xi32>
    %ne3A_57 = arith.cmpi ne, %rem3A_54, %ne3A_56 : vector<16x128xi32>
    %and3A = arith.andi %ne3A_53, %ne3A_57 : vector<16x128xi1>
    %sub3A_58 = arith.constant 1 : i32
    %sub3A_59 = vector.broadcast %sub3A_58 : i32 to vector<16x128xi32>
    %sub3A_60 = arith.subi %div3A_37, %sub3A_59 : vector<16x128xi32>
    %select_n3A = arith.select %and3A, %sub3A_60, %div3A_37 : vector<16x128xi1>, vector<16x128xi32>
    %broadcast_in_dim3A_61 = arith.constant 0.000000e+00 : f32
    %broadcast_in_dim3A_62 = vector.broadcast %broadcast_in_dim3A_61 : f32 to vector<3200x64xf32>
    %add3A_63 = arith.constant 0 : i32
    %add3A_64 = vector.broadcast %add3A_63 : i32 to vector<16x128xi32>
    %add3A_65 = arith.addi %add3A_64, %select_n3A : vector<16x128xi32>
    %eq3A = arith.cmpi eq, %iota3A, %add3A_65 : vector<16x128xi32>
    %convert_element_type3A = arith.extui %eq3A : vector<16x128xi1> to vector<16x128xi32>
    %convert_element_type3A_66 = arith.sitofp %convert_element_type3A : vector<16x128xi32> to vector<16x128xf32>
    %dot_general3A_67 = arith.constant dense<0.000000e+00> : vector<6400x128xf32>
    %dot_general3A_68 = tpu.matmul %max3A_32, %convert_element_type3A_66, %dot_general3A_67 {dimension_numbers = #tpu.dot_dimension_numbers<[1], [0], [0], [1], [0, 0, 1, 1], [], []>, transpose_lhs_hint = false} : vector<6400x16xf32>, vector<16x128xf32>, vector<6400x128xf32> -> vector<6400x128xf32>
    %mul3A = arith.mulf %tile3A, %dot_general3A_68 : vector<6400x128xf32>
    %reshape3A_69 = vector.shape_cast %mul3A : vector<6400x128xf32> to vector<400x2x8x128xf32>
    %reduce_sum3A = arith.constant dense<0.000000e+00> : vector<400x8x128xf32>
    %reduce_sum3A_70 = vector.multi_reduction <add>, %reshape3A_69, %reduce_sum3A [1] : vector<400x2x8x128xf32> to vector<400x8x128xf32>
    %reshape3A_71 = vector.shape_cast %reduce_sum3A_70 : vector<400x8x128xf32> to vector<3200x128xf32>
    %get3A_72 = arith.constant 0 : index
    %get3A_73 = arith.constant 0 : index
    %get3A_74 = arith.constant 0 : index
    %get3A_75 = vector.load %arg7[%get3A_72, %get3A_73, %get3A_74] : memref<8x128x64xf32, #tpu.memory_space<vmem>>, vector<1x128x64xf32>
    %get3A_76 = vector.shape_cast %get3A_75 : vector<1x128x64xf32> to vector<128x64xf32>
    %dot_general3A_77 = arith.constant dense<0.000000e+00> : vector<3200x64xf32>
    %dot_general3A_78 = tpu.matmul %reshape3A_71, %get3A_76, %dot_general3A_77 {dimension_numbers = #tpu.dot_dimension_numbers<[1], [0], [0], [1], [0, 0, 1, 1], [], []>, transpose_lhs_hint = false} : vector<3200x128xf32>, vector<128x64xf32>, vector<3200x64xf32> -> vector<3200x64xf32>
    %add3A_79 = arith.addf %broadcast_in_dim3A_62, %dot_general3A_78 : vector<3200x64xf32>
    %add3A_80 = arith.constant 2 : i32
    %add3A_81 = vector.broadcast %add3A_80 : i32 to vector<16x128xi32>
    %add3A_82 = arith.addi %add3A_81, %select_n3A : vector<16x128xi32>
    %eq3A_83 = arith.cmpi eq, %iota3A, %add3A_82 : vector<16x128xi32>
    %convert_element_type3A_84 = arith.extui %eq3A_83 : vector<16x128xi1> to vector<16x128xi32>
    %convert_element_type3A_85 = arith.sitofp %convert_element_type3A_84 : vector<16x128xi32> to vector<16x128xf32>
    %dot_general3A_86 = arith.constant dense<0.000000e+00> : vector<6400x128xf32>
    %dot_general3A_87 = tpu.matmul %max3A_32, %convert_element_type3A_85, %dot_general3A_86 {dimension_numbers = #tpu.dot_dimension_numbers<[1], [0], [0], [1], [0, 0, 1, 1], [], []>, transpose_lhs_hint = false} : vector<6400x16xf32>, vector<16x128xf32>, vector<6400x128xf32> -> vector<6400x128xf32>
    %mul3A_88 = arith.mulf %tile3A, %dot_general3A_87 : vector<6400x128xf32>
    %reshape3A_89 = vector.shape_cast %mul3A_88 : vector<6400x128xf32> to vector<400x2x8x128xf32>
    %reduce_sum3A_90 = arith.constant dense<0.000000e+00> : vector<400x8x128xf32>
    %reduce_sum3A_91 = vector.multi_reduction <add>, %reshape3A_89, %reduce_sum3A_90 [1] : vector<400x2x8x128xf32> to vector<400x8x128xf32>
    %reshape3A_92 = vector.shape_cast %reduce_sum3A_91 : vector<400x8x128xf32> to vector<3200x128xf32>
    %get3A_93 = arith.constant 1 : index
    %get3A_94 = arith.constant 0 : index
    %get3A_95 = arith.constant 0 : index
    %get3A_96 = vector.load %arg7[%get3A_93, %get3A_94, %get3A_95] : memref<8x128x64xf32, #tpu.memory_space<vmem>>, vector<1x128x64xf32>
    %get3A_97 = vector.shape_cast %get3A_96 : vector<1x128x64xf32> to vector<128x64xf32>
    %dot_general3A_98 = arith.constant dense<0.000000e+00> : vector<3200x64xf32>
    %dot_general3A_99 = tpu.matmul %reshape3A_92, %get3A_97, %dot_general3A_98 {dimension_numbers = #tpu.dot_dimension_numbers<[1], [0], [0], [1], [0, 0, 1, 1], [], []>, transpose_lhs_hint = false} : vector<3200x128xf32>, vector<128x64xf32>, vector<3200x64xf32> -> vector<3200x64xf32>
    %add3A_100 = arith.addf %add3A_79, %dot_general3A_99 : vector<3200x64xf32>
    %add3A_101 = arith.constant 4 : i32
    %add3A_102 = vector.broadcast %add3A_101 : i32 to vector<16x128xi32>
    %add3A_103 = arith.addi %add3A_102, %select_n3A : vector<16x128xi32>
    %eq3A_104 = arith.cmpi eq, %iota3A, %add3A_103 : vector<16x128xi32>
    %convert_element_type3A_105 = arith.extui %eq3A_104 : vector<16x128xi1> to vector<16x128xi32>
    %convert_element_type3A_106 = arith.sitofp %convert_element_type3A_105 : vector<16x128xi32> to vector<16x128xf32>
    %dot_general3A_107 = arith.constant dense<0.000000e+00> : vector<6400x128xf32>
    %dot_general3A_108 = tpu.matmul %max3A_32, %convert_element_type3A_106, %dot_general3A_107 {dimension_numbers = #tpu.dot_dimension_numbers<[1], [0], [0], [1], [0, 0, 1, 1], [], []>, transpose_lhs_hint = false} : vector<6400x16xf32>, vector<16x128xf32>, vector<6400x128xf32> -> vector<6400x128xf32>
    %mul3A_109 = arith.mulf %tile3A, %dot_general3A_108 : vector<6400x128xf32>
    %reshape3A_110 = vector.shape_cast %mul3A_109 : vector<6400x128xf32> to vector<400x2x8x128xf32>
    %reduce_sum3A_111 = arith.constant dense<0.000000e+00> : vector<400x8x128xf32>
    %reduce_sum3A_112 = vector.multi_reduction <add>, %reshape3A_110, %reduce_sum3A_111 [1] : vector<400x2x8x128xf32> to vector<400x8x128xf32>
    %reshape3A_113 = vector.shape_cast %reduce_sum3A_112 : vector<400x8x128xf32> to vector<3200x128xf32>
    %get3A_114 = arith.constant 2 : index
    %get3A_115 = arith.constant 0 : index
    %get3A_116 = arith.constant 0 : index
    %get3A_117 = vector.load %arg7[%get3A_114, %get3A_115, %get3A_116] : memref<8x128x64xf32, #tpu.memory_space<vmem>>, vector<1x128x64xf32>
    %get3A_118 = vector.shape_cast %get3A_117 : vector<1x128x64xf32> to vector<128x64xf32>
    %dot_general3A_119 = arith.constant dense<0.000000e+00> : vector<3200x64xf32>
    %dot_general3A_120 = tpu.matmul %reshape3A_113, %get3A_118, %dot_general3A_119 {dimension_numbers = #tpu.dot_dimension_numbers<[1], [0], [0], [1], [0, 0, 1, 1], [], []>, transpose_lhs_hint = false} : vector<3200x128xf32>, vector<128x64xf32>, vector<3200x64xf32> -> vector<3200x64xf32>
    %add3A_121 = arith.addf %add3A_100, %dot_general3A_120 : vector<3200x64xf32>
    %add3A_122 = arith.constant 6 : i32
    %add3A_123 = vector.broadcast %add3A_122 : i32 to vector<16x128xi32>
    %add3A_124 = arith.addi %add3A_123, %select_n3A : vector<16x128xi32>
    %eq3A_125 = arith.cmpi eq, %iota3A, %add3A_124 : vector<16x128xi32>
    %convert_element_type3A_126 = arith.extui %eq3A_125 : vector<16x128xi1> to vector<16x128xi32>
    %convert_element_type3A_127 = arith.sitofp %convert_element_type3A_126 : vector<16x128xi32> to vector<16x128xf32>
    %dot_general3A_128 = arith.constant dense<0.000000e+00> : vector<6400x128xf32>
    %dot_general3A_129 = tpu.matmul %max3A_32, %convert_element_type3A_127, %dot_general3A_128 {dimension_numbers = #tpu.dot_dimension_numbers<[1], [0], [0], [1], [0, 0, 1, 1], [], []>, transpose_lhs_hint = false} : vector<6400x16xf32>, vector<16x128xf32>, vector<6400x128xf32> -> vector<6400x128xf32>
    %mul3A_130 = arith.mulf %tile3A, %dot_general3A_129 : vector<6400x128xf32>
    %reshape3A_131 = vector.shape_cast %mul3A_130 : vector<6400x128xf32> to vector<400x2x8x128xf32>
    %reduce_sum3A_132 = arith.constant dense<0.000000e+00> : vector<400x8x128xf32>
    %reduce_sum3A_133 = vector.multi_reduction <add>, %reshape3A_131, %reduce_sum3A_132 [1] : vector<400x2x8x128xf32> to vector<400x8x128xf32>
    %reshape3A_134 = vector.shape_cast %reduce_sum3A_133 : vector<400x8x128xf32> to vector<3200x128xf32>
    %get3A_135 = arith.constant 3 : index
    %get3A_136 = arith.constant 0 : index
    %get3A_137 = arith.constant 0 : index
    %get3A_138 = vector.load %arg7[%get3A_135, %get3A_136, %get3A_137] : memref<8x128x64xf32, #tpu.memory_space<vmem>>, vector<1x128x64xf32>
    %get3A_139 = vector.shape_cast %get3A_138 : vector<1x128x64xf32> to vector<128x64xf32>
    %dot_general3A_140 = arith.constant dense<0.000000e+00> : vector<3200x64xf32>
    %dot_general3A_141 = tpu.matmul %reshape3A_134, %get3A_139, %dot_general3A_140 {dimension_numbers = #tpu.dot_dimension_numbers<[1], [0], [0], [1], [0, 0, 1, 1], [], []>, transpose_lhs_hint = false} : vector<3200x128xf32>, vector<128x64xf32>, vector<3200x64xf32> -> vector<3200x64xf32>
    %add3A_142 = arith.addf %add3A_121, %dot_general3A_141 : vector<3200x64xf32>
    %add3A_143 = arith.constant 8 : i32
    %add3A_144 = vector.broadcast %add3A_143 : i32 to vector<16x128xi32>
    %add3A_145 = arith.addi %add3A_144, %select_n3A : vector<16x128xi32>
    %eq3A_146 = arith.cmpi eq, %iota3A, %add3A_145 : vector<16x128xi32>
    %convert_element_type3A_147 = arith.extui %eq3A_146 : vector<16x128xi1> to vector<16x128xi32>
    %convert_element_type3A_148 = arith.sitofp %convert_element_type3A_147 : vector<16x128xi32> to vector<16x128xf32>
    %dot_general3A_149 = arith.constant dense<0.000000e+00> : vector<6400x128xf32>
    %dot_general3A_150 = tpu.matmul %max3A_32, %convert_element_type3A_148, %dot_general3A_149 {dimension_numbers = #tpu.dot_dimension_numbers<[1], [0], [0], [1], [0, 0, 1, 1], [], []>, transpose_lhs_hint = false} : vector<6400x16xf32>, vector<16x128xf32>, vector<6400x128xf32> -> vector<6400x128xf32>
    %mul3A_151 = arith.mulf %tile3A, %dot_general3A_150 : vector<6400x128xf32>
    %reshape3A_152 = vector.shape_cast %mul3A_151 : vector<6400x128xf32> to vector<400x2x8x128xf32>
    %reduce_sum3A_153 = arith.constant dense<0.000000e+00> : vector<400x8x128xf32>
    %reduce_sum3A_154 = vector.multi_reduction <add>, %reshape3A_152, %reduce_sum3A_153 [1] : vector<400x2x8x128xf32> to vector<400x8x128xf32>
    %reshape3A_155 = vector.shape_cast %reduce_sum3A_154 : vector<400x8x128xf32> to vector<3200x128xf32>
    %get3A_156 = arith.constant 4 : index
    %get3A_157 = arith.constant 0 : index
    %get3A_158 = arith.constant 0 : index
    %get3A_159 = vector.load %arg7[%get3A_156, %get3A_157, %get3A_158] : memref<8x128x64xf32, #tpu.memory_space<vmem>>, vector<1x128x64xf32>
    %get3A_160 = vector.shape_cast %get3A_159 : vector<1x128x64xf32> to vector<128x64xf32>
    %dot_general3A_161 = arith.constant dense<0.000000e+00> : vector<3200x64xf32>
    %dot_general3A_162 = tpu.matmul %reshape3A_155, %get3A_160, %dot_general3A_161 {dimension_numbers = #tpu.dot_dimension_numbers<[1], [0], [0], [1], [0, 0, 1, 1], [], []>, transpose_lhs_hint = false} : vector<3200x128xf32>, vector<128x64xf32>, vector<3200x64xf32> -> vector<3200x64xf32>
    %add3A_163 = arith.addf %add3A_142, %dot_general3A_162 : vector<3200x64xf32>
    %add3A_164 = arith.constant 10 : i32
    %add3A_165 = vector.broadcast %add3A_164 : i32 to vector<16x128xi32>
    %add3A_166 = arith.addi %add3A_165, %select_n3A : vector<16x128xi32>
    %eq3A_167 = arith.cmpi eq, %iota3A, %add3A_166 : vector<16x128xi32>
    %convert_element_type3A_168 = arith.extui %eq3A_167 : vector<16x128xi1> to vector<16x128xi32>
    %convert_element_type3A_169 = arith.sitofp %convert_element_type3A_168 : vector<16x128xi32> to vector<16x128xf32>
    %dot_general3A_170 = arith.constant dense<0.000000e+00> : vector<6400x128xf32>
    %dot_general3A_171 = tpu.matmul %max3A_32, %convert_element_type3A_169, %dot_general3A_170 {dimension_numbers = #tpu.dot_dimension_numbers<[1], [0], [0], [1], [0, 0, 1, 1], [], []>, transpose_lhs_hint = false} : vector<6400x16xf32>, vector<16x128xf32>, vector<6400x128xf32> -> vector<6400x128xf32>
    %mul3A_172 = arith.mulf %tile3A, %dot_general3A_171 : vector<6400x128xf32>
    %reshape3A_173 = vector.shape_cast %mul3A_172 : vector<6400x128xf32> to vector<400x2x8x128xf32>
    %reduce_sum3A_174 = arith.constant dense<0.000000e+00> : vector<400x8x128xf32>
    %reduce_sum3A_175 = vector.multi_reduction <add>, %reshape3A_173, %reduce_sum3A_174 [1] : vector<400x2x8x128xf32> to vector<400x8x128xf32>
    %reshape3A_176 = vector.shape_cast %reduce_sum3A_175 : vector<400x8x128xf32> to vector<3200x128xf32>
    %get3A_177 = arith.constant 5 : index
    %get3A_178 = arith.constant 0 : index
    %get3A_179 = arith.constant 0 : index
    %get3A_180 = vector.load %arg7[%get3A_177, %get3A_178, %get3A_179] : memref<8x128x64xf32, #tpu.memory_space<vmem>>, vector<1x128x64xf32>
    %get3A_181 = vector.shape_cast %get3A_180 : vector<1x128x64xf32> to vector<128x64xf32>
    %dot_general3A_182 = arith.constant dense<0.000000e+00> : vector<3200x64xf32>
    %dot_general3A_183 = tpu.matmul %reshape3A_176, %get3A_181, %dot_general3A_182 {dimension_numbers = #tpu.dot_dimension_numbers<[1], [0], [0], [1], [0, 0, 1, 1], [], []>, transpose_lhs_hint = false} : vector<3200x128xf32>, vector<128x64xf32>, vector<3200x64xf32> -> vector<3200x64xf32>
    %add3A_184 = arith.addf %add3A_163, %dot_general3A_183 : vector<3200x64xf32>
    %add3A_185 = arith.constant 12 : i32
    %add3A_186 = vector.broadcast %add3A_185 : i32 to vector<16x128xi32>
    %add3A_187 = arith.addi %add3A_186, %select_n3A : vector<16x128xi32>
    %eq3A_188 = arith.cmpi eq, %iota3A, %add3A_187 : vector<16x128xi32>
    %convert_element_type3A_189 = arith.extui %eq3A_188 : vector<16x128xi1> to vector<16x128xi32>
    %convert_element_type3A_190 = arith.sitofp %convert_element_type3A_189 : vector<16x128xi32> to vector<16x128xf32>
    %dot_general3A_191 = arith.constant dense<0.000000e+00> : vector<6400x128xf32>
    %dot_general3A_192 = tpu.matmul %max3A_32, %convert_element_type3A_190, %dot_general3A_191 {dimension_numbers = #tpu.dot_dimension_numbers<[1], [0], [0], [1], [0, 0, 1, 1], [], []>, transpose_lhs_hint = false} : vector<6400x16xf32>, vector<16x128xf32>, vector<6400x128xf32> -> vector<6400x128xf32>
    %mul3A_193 = arith.mulf %tile3A, %dot_general3A_192 : vector<6400x128xf32>
    %reshape3A_194 = vector.shape_cast %mul3A_193 : vector<6400x128xf32> to vector<400x2x8x128xf32>
    %reduce_sum3A_195 = arith.constant dense<0.000000e+00> : vector<400x8x128xf32>
    %reduce_sum3A_196 = vector.multi_reduction <add>, %reshape3A_194, %reduce_sum3A_195 [1] : vector<400x2x8x128xf32> to vector<400x8x128xf32>
    %reshape3A_197 = vector.shape_cast %reduce_sum3A_196 : vector<400x8x128xf32> to vector<3200x128xf32>
    %get3A_198 = arith.constant 6 : index
    %get3A_199 = arith.constant 0 : index
    %get3A_200 = arith.constant 0 : index
    %get3A_201 = vector.load %arg7[%get3A_198, %get3A_199, %get3A_200] : memref<8x128x64xf32, #tpu.memory_space<vmem>>, vector<1x128x64xf32>
    %get3A_202 = vector.shape_cast %get3A_201 : vector<1x128x64xf32> to vector<128x64xf32>
    %dot_general3A_203 = arith.constant dense<0.000000e+00> : vector<3200x64xf32>
    %dot_general3A_204 = tpu.matmul %reshape3A_197, %get3A_202, %dot_general3A_203 {dimension_numbers = #tpu.dot_dimension_numbers<[1], [0], [0], [1], [0, 0, 1, 1], [], []>, transpose_lhs_hint = false} : vector<3200x128xf32>, vector<128x64xf32>, vector<3200x64xf32> -> vector<3200x64xf32>
    %add3A_205 = arith.addf %add3A_184, %dot_general3A_204 : vector<3200x64xf32>
    %add3A_206 = arith.constant 14 : i32
    %add3A_207 = vector.broadcast %add3A_206 : i32 to vector<16x128xi32>
    %add3A_208 = arith.addi %add3A_207, %select_n3A : vector<16x128xi32>
    %eq3A_209 = arith.cmpi eq, %iota3A, %add3A_208 : vector<16x128xi32>
    %convert_element_type3A_210 = arith.extui %eq3A_209 : vector<16x128xi1> to vector<16x128xi32>
    %convert_element_type3A_211 = arith.sitofp %convert_element_type3A_210 : vector<16x128xi32> to vector<16x128xf32>
    %dot_general3A_212 = arith.constant dense<0.000000e+00> : vector<6400x128xf32>
    %dot_general3A_213 = tpu.matmul %max3A_32, %convert_element_type3A_211, %dot_general3A_212 {dimension_numbers = #tpu.dot_dimension_numbers<[1], [0], [0], [1], [0, 0, 1, 1], [], []>, transpose_lhs_hint = false} : vector<6400x16xf32>, vector<16x128xf32>, vector<6400x128xf32> -> vector<6400x128xf32>
    %mul3A_214 = arith.mulf %tile3A, %dot_general3A_213 : vector<6400x128xf32>
    %reshape3A_215 = vector.shape_cast %mul3A_214 : vector<6400x128xf32> to vector<400x2x8x128xf32>
    %reduce_sum3A_216 = arith.constant dense<0.000000e+00> : vector<400x8x128xf32>
    %reduce_sum3A_217 = vector.multi_reduction <add>, %reshape3A_215, %reduce_sum3A_216 [1] : vector<400x2x8x128xf32> to vector<400x8x128xf32>
    %reshape3A_218 = vector.shape_cast %reduce_sum3A_217 : vector<400x8x128xf32> to vector<3200x128xf32>
    %get3A_219 = arith.constant 7 : index
    %get3A_220 = arith.constant 0 : index
    %get3A_221 = arith.constant 0 : index
    %get3A_222 = vector.load %arg7[%get3A_219, %get3A_220, %get3A_221] : memref<8x128x64xf32, #tpu.memory_space<vmem>>, vector<1x128x64xf32>
    %get3A_223 = vector.shape_cast %get3A_222 : vector<1x128x64xf32> to vector<128x64xf32>
    %dot_general3A_224 = arith.constant dense<0.000000e+00> : vector<3200x64xf32>
    %dot_general3A_225 = tpu.matmul %reshape3A_218, %get3A_223, %dot_general3A_224 {dimension_numbers = #tpu.dot_dimension_numbers<[1], [0], [0], [1], [0, 0, 1, 1], [], []>, transpose_lhs_hint = false} : vector<3200x128xf32>, vector<128x64xf32>, vector<3200x64xf32> -> vector<3200x64xf32>
    %add3A_226 = arith.addf %add3A_205, %dot_general3A_225 : vector<3200x64xf32>
    %reshape3A_227 = vector.shape_cast %add3A_226 : vector<3200x64xf32> to vector<400x8x64xf32>
    %reduce_sum3A_228 = arith.constant dense<0.000000e+00> : vector<400x64xf32>
    %reduce_sum3A_229 = vector.multi_reduction <add>, %reshape3A_227, %reduce_sum3A_228 [1] : vector<400x8x64xf32> to vector<400x64xf32>
    %mul3A_230 = arith.constant 6.250000e-02 : f32
    %mul3A_231 = vector.broadcast %mul3A_230 : f32 to vector<400x64xf32>
    %mul3A_232 = arith.mulf %reduce_sum3A_229, %mul3A_231 : vector<400x64xf32>
    %get3A_233 = arith.constant 0 : index
    %get3A_234 = arith.constant 0 : index
    %get3A_235 = vector.load %arg8[%get3A_233, %get3A_234] : memref<1x64xf32, #tpu.memory_space<vmem>>, vector<1x64xf32>
    %add3A_236 = vector.broadcast %get3A_235 : vector<1x64xf32> to vector<400x64xf32>
    %add3A_237 = arith.addf %mul3A_232, %add3A_236 : vector<400x64xf32>
    %max3A_238 = arith.constant 0.000000e+00 : f32
    %max3A_239 = vector.broadcast %max3A_238 : f32 to vector<400x64xf32>
    %max3A_240 = arith.maximumf %add3A_237, %max3A_239 : vector<400x64xf32>
    %swap3A = arith.constant 0 : index
    %swap3A_241 = arith.constant 0 : index
    %swap3A_242 = vector.load %arg9[%swap3A, %swap3A_241] : memref<400x64xf32, #tpu.memory_space<vmem>>, vector<400x64xf32>
    tpu.vector_store %arg9[%swap3A, %swap3A_241], %max3A_240 {strides = array<i32>} : memref<400x64xf32, #tpu.memory_space<vmem>>, vector<400x64xf32>,
    return
  }
  func.func @transform_0(%arg0: i32) -> (i32, i32) {
    %c0_i32 = arith.constant 0 : i32
    %c0_i32_0 = arith.constant 0 : i32
    return %arg0, %c0_i32 : i32, i32
  }
  func.func @transform_1(%arg0: i32) -> (i32, i32) {
    %c0_i32 = arith.constant 0 : i32
    %c0_i32_0 = arith.constant 0 : i32
    return %arg0, %c0_i32 : i32, i32
  }
  func.func @transform_2(%arg0: i32) -> (i32, i32) {
    %c0_i32 = arith.constant 0 : i32
    %c0_i32_0 = arith.constant 0 : i32
    %c0_i32_1 = arith.constant 0 : i32
    return %c0_i32, %c0_i32_0 : i32, i32
  }
  func.func @transform_3(%arg0: i32) -> (i32, i32) {
    %c0_i32 = arith.constant 0 : i32
    %c0_i32_0 = arith.constant 0 : i32
    %c0_i32_1 = arith.constant 0 : i32
    return %c0_i32, %c0_i32_0 : i32, i32
  }
  func.func @transform_4(%arg0: i32) -> (i32, i32) {
    %c0_i32 = arith.constant 0 : i32
    %c0_i32_0 = arith.constant 0 : i32
    %c0_i32_1 = arith.constant 0 : i32
    return %c0_i32, %c0_i32_0 : i32, i32
  }
  func.func @transform_5(%arg0: i32) -> (i32, i32) {
    %c0_i32 = arith.constant 0 : i32
    %c0_i32_0 = arith.constant 0 : i32
    %c0_i32_1 = arith.constant 0 : i32
    return %c0_i32, %c0_i32_0 : i32, i32
  }
  func.func @transform_6(%arg0: i32) -> (i32, i32, i32) {
    %c0_i32 = arith.constant 0 : i32
    %c0_i32_0 = arith.constant 0 : i32
    %c0_i32_1 = arith.constant 0 : i32
    %c0_i32_2 = arith.constant 0 : i32
    return %c0_i32, %c0_i32_0, %c0_i32_1 : i32, i32, i32
  }
  func.func @transform_7(%arg0: i32) -> (i32, i32) {
    %c0_i32 = arith.constant 0 : i32
    %c0_i32_0 = arith.constant 0 : i32
    %c0_i32_1 = arith.constant 0 : i32
    return %c0_i32, %c0_i32_0 : i32, i32
  }
  func.func @transform_8(%arg0: i32) -> (i32, i32) {
    %c0_i32 = arith.constant 0 : i32
    %c0_i32_0 = arith.constant 0 : i32
    return %arg0, %c0_i32 : i32, i32
  }
}

module attributes {stable_mosaic.version = 14 : i64} {
  func.func @_block_kernel(%arg0: i32, %arg1: memref<6400x128xf32, #tpu.memory_space<vmem>>, %arg2: memref<400x32xf32, #tpu.memory_space<vmem>>, %arg3: memref<32x16xf32, #tpu.memory_space<vmem>>, %arg4: memref<1x16xf32, #tpu.memory_space<vmem>>, %arg5: memref<16x16xf32, #tpu.memory_space<vmem>>, %arg6: memref<1x16xf32, #tpu.memory_space<vmem>>, %arg7: memref<8x128x64xf32, #tpu.memory_space<vmem>>, %arg8: memref<1x64xf32, #tpu.memory_space<vmem>>, %arg9: memref<400x64xf32, #tpu.memory_space<vmem>>) attributes {dimension_semantics = [#tpu.dimension_semantics<arbitrary>], iteration_bounds = array<i64: 60>, scalar_prefetch = 0 : i64, scratch_operands = 0 : i64, tpu.core_type = #tpu.core_type<tc>, window_params = [{transform_indices = @transform_0, window_bounds = array<i64: 6400, 128>}, {transform_indices = @transform_1, window_bounds = array<i64: 400, 32>}, {pipeline_mode = #tpu.pipeline_mode<synchronous>, transform_indices = @transform_2, window_bounds = array<i64: 32, 16>}, {pipeline_mode = #tpu.pipeline_mode<synchronous>, transform_indices = @transform_3, window_bounds = array<i64: 1, 16>}, {pipeline_mode = #tpu.pipeline_mode<synchronous>, transform_indices = @transform_4, window_bounds = array<i64: 16, 16>}, {pipeline_mode = #tpu.pipeline_mode<synchronous>, transform_indices = @transform_5, window_bounds = array<i64: 1, 16>}, {pipeline_mode = #tpu.pipeline_mode<synchronous>, transform_indices = @transform_6, window_bounds = array<i64: 8, 128, 64>}, {pipeline_mode = #tpu.pipeline_mode<synchronous>, transform_indices = @transform_7, window_bounds = array<i64: 1, 64>}, {transform_indices = @transform_8, window_bounds = array<i64: 400, 64>}]} {
    %get3A = arith.constant 0 : index
    %get3A_0 = arith.constant 64 : index
    %get3A_1 = vector.load %arg1[%get3A, %get3A_0] : memref<6400x128xf32, #tpu.memory_space<vmem>>, vector<6400x32xf32>
    %get3A_2 = arith.constant 0 : index
    %get3A_3 = arith.constant 0 : index
    %get3A_4 = vector.load %arg2[%get3A_2, %get3A_3] : memref<400x32xf32, #tpu.memory_space<vmem>>, vector<400x32xf32>
    %broadcast_in_dim3A = vector.shape_cast %get3A_4 : vector<400x32xf32> to vector<400x1x32xf32>
    %broadcast_in_dim3A_5 = vector.shape_cast %broadcast_in_dim3A : vector<400x1x32xf32> to vector<400x1x32xf32>
    %broadcast_in_dim3A_6 = vector.broadcast %broadcast_in_dim3A_5 : vector<400x1x32xf32> to vector<400x16x32xf32>
    %reshape3A = vector.shape_cast %broadcast_in_dim3A_6 : vector<400x16x32xf32> to vector<6400x32xf32>
    %sub3A = arith.subf %get3A_1, %reshape3A : vector<6400x32xf32>
    %max3A = arith.constant 0.000000e+00 : f32
    %max3A_7 = vector.broadcast %max3A : f32 to vector<6400x32xf32>
    %max3A_8 = arith.maximumf %sub3A, %max3A_7 : vector<6400x32xf32>
    %get3A_9 = arith.constant 0 : index
    %get3A_10 = arith.constant 0 : index
    %get3A_11 = vector.load %arg3[%get3A_9, %get3A_10] : memref<32x16xf32, #tpu.memory_space<vmem>>, vector<32x16xf32>
    %dot_general3A = arith.constant dense<0.000000e+00> : vector<6400x16xf32>
    %dot_general3A_12 = tpu.matmul %max3A_8, %get3A_11, %dot_general3A {dimension_numbers = #tpu.dot_dimension_numbers<[1], [0], [0], [1], [0, 0, 1, 1], [], []>, transpose_lhs_hint = false} : vector<6400x32xf32>, vector<32x16xf32>, vector<6400x16xf32> -> vector<6400x16xf32>
    %get3A_13 = arith.constant 0 : index
    %get3A_14 = arith.constant 0 : index
    %get3A_15 = vector.load %arg4[%get3A_13, %get3A_14] : memref<1x16xf32, #tpu.memory_space<vmem>>, vector<1x16xf32>
    %add3A = vector.broadcast %get3A_15 : vector<1x16xf32> to vector<6400x16xf32>
    %add3A_16 = arith.addf %dot_general3A_12, %add3A : vector<6400x16xf32>
    %max3A_17 = arith.constant 0.000000e+00 : f32
    %max3A_18 = vector.broadcast %max3A_17 : f32 to vector<6400x16xf32>
    %max3A_19 = arith.maximumf %add3A_16, %max3A_18 : vector<6400x16xf32>
    %get3A_20 = arith.constant 0 : index
    %get3A_21 = arith.constant 0 : index
    %get3A_22 = vector.load %arg5[%get3A_20, %get3A_21] : memref<16x16xf32, #tpu.memory_space<vmem>>, vector<16x16xf32>
    %dot_general3A_23 = arith.constant dense<0.000000e+00> : vector<6400x16xf32>
    %dot_general3A_24 = tpu.matmul %max3A_19, %get3A_22, %dot_general3A_23 {dimension_numbers = #tpu.dot_dimension_numbers<[1], [0], [0], [1], [0, 0, 1, 1], [], []>, transpose_lhs_hint = false} : vector<6400x16xf32>, vector<16x16xf32>, vector<6400x16xf32> -> vector<6400x16xf32>
    %get3A_25 = arith.constant 0 : index
    %get3A_26 = arith.constant 0 : index
    %get3A_27 = vector.load %arg6[%get3A_25, %get3A_26] : memref<1x16xf32, #tpu.memory_space<vmem>>, vector<1x16xf32>
    %add3A_28 = vector.broadcast %get3A_27 : vector<1x16xf32> to vector<6400x16xf32>
    %add3A_29 = arith.addf %dot_general3A_24, %add3A_28 : vector<6400x16xf32>
    %max3A_30 = arith.constant 0.000000e+00 : f32
    %max3A_31 = vector.broadcast %max3A_30 : f32 to vector<6400x16xf32>
    %max3A_32 = arith.maximumf %add3A_29, %max3A_31 : vector<6400x16xf32>
    %get3A_33 = arith.constant 0 : index
    %get3A_34 = arith.constant 0 : index
    %get3A_35 = vector.load %arg1[%get3A_33, %get3A_34] : memref<6400x128xf32, #tpu.memory_space<vmem>>, vector<6400x64xf32>
    %tile3A = tpu.concatenate %get3A_35, %get3A_35 in 1 : vector<6400x64xf32>, vector<6400x64xf32> -> vector<6400x128xf32>
    %iota3A = tpu.iota {dimensions = array<i32: 0>} : vector<16x128xi32>
    %iota3A_36 = tpu.iota {dimensions = array<i32: 1>} : vector<16x128xi32>
    %jit3A = arith.constant 64 : i32
    %div3A = vector.broadcast %jit3A : i32 to vector<16x128xi32>
    %div3A_37 = arith.divsi %iota3A_36, %div3A : vector<16x128xi32>
    %sign3A = arith.constant 0 : i32
    %sign3A_38 = vector.broadcast %sign3A : i32 to vector<16x128xi32>
    %sign3A_39 = arith.cmpi sgt, %iota3A_36, %sign3A_38 : vector<16x128xi32>
    %sign3A_40 = arith.extui %sign3A_39 : vector<16x128xi1> to vector<16x128xi32>
    %sign3A_41 = arith.constant 0 : i32
    %sign3A_42 = vector.broadcast %sign3A_41 : i32 to vector<16x128xi32>
    %sign3A_43 = arith.cmpi slt, %iota3A_36, %sign3A_42 : vector<16x128xi32>
    %sign3A_44 = arith.extui %sign3A_43 : vector<16x128xi1> to vector<16x128xi32>
    %sign3A_45 = arith.subi %sign3A_40, %sign3A_44 : vector<16x128xi32>
    %sign3A_46 = arith.constant 0 : i32
    %sign3A_47 = arith.cmpi sgt, %jit3A, %sign3A_46 : i32
    %sign3A_48 = arith.extui %sign3A_47 : i1 to i32
    %sign3A_49 = arith.constant 0 : i32
    %sign3A_50 = arith.cmpi slt, %jit3A, %sign3A_49 : i32
    %sign3A_51 = arith.extui %sign3A_50 : i1 to i32
    %sign3A_52 = arith.subi %sign3A_48, %sign3A_51 : i32
    %ne3A = vector.broadcast %sign3A_52 : i32 to vector<16x128xi32>
    %ne3A_53 = arith.cmpi ne, %sign3A_45, %ne3A : vector<16x128xi32>
    %rem3A = vector.broadcast %jit3A : i32 to vector<16x128xi32>
    %rem3A_54 = arith.remsi %iota3A_36, %rem3A : vector<16x128xi32>
    %ne3A_55 = arith.constant 0 : i32
    %ne3A_56 = vector.broadcast %ne3A_55 : i32 to vector<16x128xi32>
    %ne3A_57 = arith.cmpi ne, %rem3A_54, %ne3A_56 : vector<16x128xi32>
    %and3A = arith.andi %ne3A_53, %ne3A_57 : vector<16x128xi1>
    %sub3A_58 = arith.constant 1 : i32
    %sub3A_59 = vector.broadcast %sub3A_58 : i32 to vector<16x128xi32>
    %sub3A_60 = arith.subi %div3A_37, %sub3A_59 : vector<16x128xi32>
    %select_n3A = arith.select %and3A, %sub3A_60, %div3A_37 : vector<16x128xi1>, vector<16x128xi32>
    %broadcast_in_dim3A_61 = arith.constant 0.000000e+00 : f32
    %broadcast_in_dim3A_62 = vector.broadcast %broadcast_in_dim3A_61 : f32 to vector<3200x64xf32>
    %add3A_63 = arith.constant 0 : i32
    %add3A_64 = vector.broadcast %add3A_63 : i32 to vector<16x128xi32>
    %add3A_65 = arith.addi %add3A_64, %select_n3A : vector<16x128xi32>
    %eq3A = arith.cmpi eq, %iota3A, %add3A_65 : vector<16x128xi32>
    %convert_element_type3A = arith.extui %eq3A : vector<16x128xi1> to vector<16x128xi32>
    %convert_element_type3A_66 = arith.sitofp %convert_element_type3A : vector<16x128xi32> to vector<16x128xf32>
    %dot_general3A_67 = arith.constant dense<0.000000e+00> : vector<6400x128xf32>
    %dot_general3A_68 = tpu.matmul %max3A_32, %convert_element_type3A_66, %dot_general3A_67 {dimension_numbers = #tpu.dot_dimension_numbers<[1], [0], [0], [1], [0, 0, 1, 1], [], []>, transpose_lhs_hint = false} : vector<6400x16xf32>, vector<16x128xf32>, vector<6400x128xf32> -> vector<6400x128xf32>
    %mul3A = arith.mulf %tile3A, %dot_general3A_68 : vector<6400x128xf32>
    %reshape3A_69 = vector.shape_cast %mul3A : vector<6400x128xf32> to vector<400x2x8x128xf32>
    %reduce_sum3A = arith.constant dense<0.000000e+00> : vector<400x8x128xf32>
    %reduce_sum3A_70 = vector.multi_reduction <add>, %reshape3A_69, %reduce_sum3A [1] : vector<400x2x8x128xf32> to vector<400x8x128xf32>
    %reshape3A_71 = vector.shape_cast %reduce_sum3A_70 : vector<400x8x128xf32> to vector<3200x128xf32>
    %get3A_72 = arith.constant 0 : index
    %get3A_73 = arith.constant 0 : index
    %get3A_74 = arith.constant 0 : index
    %get3A_75 = vector.load %arg7[%get3A_72, %get3A_73, %get3A_74] : memref<8x128x64xf32, #tpu.memory_space<vmem>>, vector<1x128x64xf32>
    %get3A_76 = vector.shape_cast %get3A_75 : vector<1x128x64xf32> to vector<128x64xf32>
    %dot_general3A_77 = arith.constant dense<0.000000e+00> : vector<3200x64xf32>
    %dot_general3A_78 = tpu.matmul %reshape3A_71, %get3A_76, %dot_general3A_77 {dimension_numbers = #tpu.dot_dimension_numbers<[1], [0], [0], [1], [0, 0, 1, 1], [], []>, transpose_lhs_hint = false} : vector<3200x128xf32>, vector<128x64xf32>, vector<3200x64xf32> -> vector<3200x64xf32>
    %add3A_79 = arith.addf %broadcast_in_dim3A_62, %dot_general3A_78 : vector<3200x64xf32>
    %add3A_80 = arith.constant 2 : i32
    %add3A_81 = vector.broadcast %add3A_80 : i32 to vector<16x128xi32>
    %add3A_82 = arith.addi %add3A_81, %select_n3A : vector<16x128xi32>
    %eq3A_83 = arith.cmpi eq, %iota3A, %add3A_82 : vector<16x128xi32>
    %convert_element_type3A_84 = arith.extui %eq3A_83 : vector<16x128xi1> to vector<16x128xi32>
    %convert_element_type3A_85 = arith.sitofp %convert_element_type3A_84 : vector<16x128xi32> to vector<16x128xf32>
    %dot_general3A_86 = arith.constant dense<0.000000e+00> : vector<6400x128xf32>
    %dot_general3A_87 = tpu.matmul %max3A_32, %convert_element_type3A_85, %dot_general3A_86 {dimension_numbers = #tpu.dot_dimension_numbers<[1], [0], [0], [1], [0, 0, 1, 1], [], []>, transpose_lhs_hint = false} : vector<6400x16xf32>, vector<16x128xf32>, vector<6400x128xf32> -> vector<6400x128xf32>
    %mul3A_88 = arith.mulf %tile3A, %dot_general3A_87 : vector<6400x128xf32>
    %reshape3A_89 = vector.shape_cast %mul3A_88 : vector<6400x128xf32> to vector<400x2x8x128xf32>
    %reduce_sum3A_90 = arith.constant dense<0.000000e+00> : vector<400x8x128xf32>
    %reduce_sum3A_91 = vector.multi_reduction <add>, %reshape3A_89, %reduce_sum3A_90 [1] : vector<400x2x8x128xf32> to vector<400x8x128xf32>
    %reshape3A_92 = vector.shape_cast %reduce_sum3A_91 : vector<400x8x128xf32> to vector<3200x128xf32>
    %get3A_93 = arith.constant 1 : index
    %get3A_94 = arith.constant 0 : index
    %get3A_95 = arith.constant 0 : index
    %get3A_96 = vector.load %arg7[%get3A_93, %get3A_94, %get3A_95] : memref<8x128x64xf32, #tpu.memory_space<vmem>>, vector<1x128x64xf32>
    %get3A_97 = vector.shape_cast %get3A_96 : vector<1x128x64xf32> to vector<128x64xf32>
    %dot_general3A_98 = arith.constant dense<0.000000e+00> : vector<3200x64xf32>
    %dot_general3A_99 = tpu.matmul %reshape3A_92, %get3A_97, %dot_general3A_98 {dimension_numbers = #tpu.dot_dimension_numbers<[1], [0], [0], [1], [0, 0, 1, 1], [], []>, transpose_lhs_hint = false} : vector<3200x128xf32>, vector<128x64xf32>, vector<3200x64xf32> -> vector<3200x64xf32>
    %add3A_100 = arith.addf %add3A_79, %dot_general3A_99 : vector<3200x64xf32>
    %add3A_101 = arith.constant 4 : i32
    %add3A_102 = vector.broadcast %add3A_101 : i32 to vector<16x128xi32>
    %add3A_103 = arith.addi %add3A_102, %select_n3A : vector<16x128xi32>
    %eq3A_104 = arith.cmpi eq, %iota3A, %add3A_103 : vector<16x128xi32>
    %convert_element_type3A_105 = arith.extui %eq3A_104 : vector<16x128xi1> to vector<16x128xi32>
    %convert_element_type3A_106 = arith.sitofp %convert_element_type3A_105 : vector<16x128xi32> to vector<16x128xf32>
    %dot_general3A_107 = arith.constant dense<0.000000e+00> : vector<6400x128xf32>
    %dot_general3A_108 = tpu.matmul %max3A_32, %convert_element_type3A_106, %dot_general3A_107 {dimension_numbers = #tpu.dot_dimension_numbers<[1], [0], [0], [1], [0, 0, 1, 1], [], []>, transpose_lhs_hint = false} : vector<6400x16xf32>, vector<16x128xf32>, vector<6400x128xf32> -> vector<6400x128xf32>
    %mul3A_109 = arith.mulf %tile3A, %dot_general3A_108 : vector<6400x128xf32>
    %reshape3A_110 = vector.shape_cast %mul3A_109 : vector<6400x128xf32> to vector<400x2x8x128xf32>
    %reduce_sum3A_111 = arith.constant dense<0.000000e+00> : vector<400x8x128xf32>
    %reduce_sum3A_112 = vector.multi_reduction <add>, %reshape3A_110, %reduce_sum3A_111 [1] : vector<400x2x8x128xf32> to vector<400x8x128xf32>
    %reshape3A_113 = vector.shape_cast %reduce_sum3A_112 : vector<400x8x128xf32> to vector<3200x128xf32>
    %get3A_114 = arith.constant 2 : index
    %get3A_115 = arith.constant 0 : index
    %get3A_116 = arith.constant 0 : index
    %get3A_117 = vector.load %arg7[%get3A_114, %get3A_115, %get3A_116] : memref<8x128x64xf32, #tpu.memory_space<vmem>>, vector<1x128x64xf32>
    %get3A_118 = vector.shape_cast %get3A_117 : vector<1x128x64xf32> to vector<128x64xf32>
    %dot_general3A_119 = arith.constant dense<0.000000e+00> : vector<3200x64xf32>
    %dot_general3A_120 = tpu.matmul %reshape3A_113, %get3A_118, %dot_general3A_119 {dimension_numbers = #tpu.dot_dimension_numbers<[1], [0], [0], [1], [0, 0, 1, 1], [], []>, transpose_lhs_hint = false} : vector<3200x128xf32>, vector<128x64xf32>, vector<3200x64xf32> -> vector<3200x64xf32>
    %add3A_121 = arith.addf %add3A_100, %dot_general3A_120 : vector<3200x64xf32>
    %add3A_122 = arith.constant 6 : i32
    %add3A_123 = vector.broadcast %add3A_122 : i32 to vector<16x128xi32>
    %add3A_124 = arith.addi %add3A_123, %select_n3A : vector<16x128xi32>
    %eq3A_125 = arith.cmpi eq, %iota3A, %add3A_124 : vector<16x128xi32>
    %convert_element_type3A_126 = arith.extui %eq3A_125 : vector<16x128xi1> to vector<16x128xi32>
    %convert_element_type3A_127 = arith.sitofp %convert_element_type3A_126 : vector<16x128xi32> to vector<16x128xf32>
    %dot_general3A_128 = arith.constant dense<0.000000e+00> : vector<6400x128xf32>
    %dot_general3A_129 = tpu.matmul %max3A_32, %convert_element_type3A_127, %dot_general3A_128 {dimension_numbers = #tpu.dot_dimension_numbers<[1], [0], [0], [1], [0, 0, 1, 1], [], []>, transpose_lhs_hint = false} : vector<6400x16xf32>, vector<16x128xf32>, vector<6400x128xf32> -> vector<6400x128xf32>
    %mul3A_130 = arith.mulf %tile3A, %dot_general3A_129 : vector<6400x128xf32>
    %reshape3A_131 = vector.shape_cast %mul3A_130 : vector<6400x128xf32> to vector<400x2x8x128xf32>
    %reduce_sum3A_132 = arith.constant dense<0.000000e+00> : vector<400x8x128xf32>
    %reduce_sum3A_133 = vector.multi_reduction <add>, %reshape3A_131, %reduce_sum3A_132 [1] : vector<400x2x8x128xf32> to vector<400x8x128xf32>
    %reshape3A_134 = vector.shape_cast %reduce_sum3A_133 : vector<400x8x128xf32> to vector<3200x128xf32>
    %get3A_135 = arith.constant 3 : index
    %get3A_136 = arith.constant 0 : index
    %get3A_137 = arith.constant 0 : index
    %get3A_138 = vector.load %arg7[%get3A_135, %get3A_136, %get3A_137] : memref<8x128x64xf32, #tpu.memory_space<vmem>>, vector<1x128x64xf32>
    %get3A_139 = vector.shape_cast %get3A_138 : vector<1x128x64xf32> to vector<128x64xf32>
    %dot_general3A_140 = arith.constant dense<0.000000e+00> : vector<3200x64xf32>
    %dot_general3A_141 = tpu.matmul %reshape3A_134, %get3A_139, %dot_general3A_140 {dimension_numbers = #tpu.dot_dimension_numbers<[1], [0], [0], [1], [0, 0, 1, 1], [], []>, transpose_lhs_hint = false} : vector<3200x128xf32>, vector<128x64xf32>, vector<3200x64xf32> -> vector<3200x64xf32>
    %add3A_142 = arith.addf %add3A_121, %dot_general3A_141 : vector<3200x64xf32>
    %add3A_143 = arith.constant 8 : i32
    %add3A_144 = vector.broadcast %add3A_143 : i32 to vector<16x128xi32>
    %add3A_145 = arith.addi %add3A_144, %select_n3A : vector<16x128xi32>
    %eq3A_146 = arith.cmpi eq, %iota3A, %add3A_145 : vector<16x128xi32>
    %convert_element_type3A_147 = arith.extui %eq3A_146 : vector<16x128xi1> to vector<16x128xi32>
    %convert_element_type3A_148 = arith.sitofp %convert_element_type3A_147 : vector<16x128xi32> to vector<16x128xf32>
    %dot_general3A_149 = arith.constant dense<0.000000e+00> : vector<6400x128xf32>
    %dot_general3A_150 = tpu.matmul %max3A_32, %convert_element_type3A_148, %dot_general3A_149 {dimension_numbers = #tpu.dot_dimension_numbers<[1], [0], [0], [1], [0, 0, 1, 1], [], []>, transpose_lhs_hint = false} : vector<6400x16xf32>, vector<16x128xf32>, vector<6400x128xf32> -> vector<6400x128xf32>
    %mul3A_151 = arith.mulf %tile3A, %dot_general3A_150 : vector<6400x128xf32>
    %reshape3A_152 = vector.shape_cast %mul3A_151 : vector<6400x128xf32> to vector<400x2x8x128xf32>
    %reduce_sum3A_153 = arith.constant dense<0.000000e+00> : vector<400x8x128xf32>
    %reduce_sum3A_154 = vector.multi_reduction <add>, %reshape3A_152, %reduce_sum3A_153 [1] : vector<400x2x8x128xf32> to vector<400x8x128xf32>
    %reshape3A_155 = vector.shape_cast %reduce_sum3A_154 : vector<400x8x128xf32> to vector<3200x128xf32>
    %get3A_156 = arith.constant 4 : index
    %get3A_157 = arith.constant 0 : index
    %get3A_158 = arith.constant 0 : index
    %get3A_159 = vector.load %arg7[%get3A_156, %get3A_157, %get3A_158] : memref<8x128x64xf32, #tpu.memory_space<vmem>>, vector<1x128x64xf32>
    %get3A_160 = vector.shape_cast %get3A_159 : vector<1x128x64xf32> to vector<128x64xf32>
    %dot_general3A_161 = arith.constant dense<0.000000e+00> : vector<3200x64xf32>
    %dot_general3A_162 = tpu.matmul %reshape3A_155, %get3A_160, %dot_general3A_161 {dimension_numbers = #tpu.dot_dimension_numbers<[1], [0], [0], [1], [0, 0, 1, 1], [], []>, transpose_lhs_hint = false} : vector<3200x128xf32>, vector<128x64xf32>, vector<3200x64xf32> -> vector<3200x64xf32>
    %add3A_163 = arith.addf %add3A_142, %dot_general3A_162 : vector<3200x64xf32>
    %add3A_164 = arith.constant 10 : i32
    %add3A_165 = vector.broadcast %add3A_164 : i32 to vector<16x128xi32>
    %add3A_166 = arith.addi %add3A_165, %select_n3A : vector<16x128xi32>
    %eq3A_167 = arith.cmpi eq, %iota3A, %add3A_166 : vector<16x128xi32>
    %convert_element_type3A_168 = arith.extui %eq3A_167 : vector<16x128xi1> to vector<16x128xi32>
    %convert_element_type3A_169 = arith.sitofp %convert_element_type3A_168 : vector<16x128xi32> to vector<16x128xf32>
    %dot_general3A_170 = arith.constant dense<0.000000e+00> : vector<6400x128xf32>
    %dot_general3A_171 = tpu.matmul %max3A_32, %convert_element_type3A_169, %dot_general3A_170 {dimension_numbers = #tpu.dot_dimension_numbers<[1], [0], [0], [1], [0, 0, 1, 1], [], []>, transpose_lhs_hint = false} : vector<6400x16xf32>, vector<16x128xf32>, vector<6400x128xf32> -> vector<6400x128xf32>
    %mul3A_172 = arith.mulf %tile3A, %dot_general3A_171 : vector<6400x128xf32>
    %reshape3A_173 = vector.shape_cast %mul3A_172 : vector<6400x128xf32> to vector<400x2x8x128xf32>
    %reduce_sum3A_174 = arith.constant dense<0.000000e+00> : vector<400x8x128xf32>
    %reduce_sum3A_175 = vector.multi_reduction <add>, %reshape3A_173, %reduce_sum3A_174 [1] : vector<400x2x8x128xf32> to vector<400x8x128xf32>
    %reshape3A_176 = vector.shape_cast %reduce_sum3A_175 : vector<400x8x128xf32> to vector<3200x128xf32>
    %get3A_177 = arith.constant 5 : index
    %get3A_178 = arith.constant 0 : index
    %get3A_179 = arith.constant 0 : index
    %get3A_180 = vector.load %arg7[%get3A_177, %get3A_178, %get3A_179] : memref<8x128x64xf32, #tpu.memory_space<vmem>>, vector<1x128x64xf32>
    %get3A_181 = vector.shape_cast %get3A_180 : vector<1x128x64xf32> to vector<128x64xf32>
    %dot_general3A_182 = arith.constant dense<0.000000e+00> : vector<3200x64xf32>
    %dot_general3A_183 = tpu.matmul %reshape3A_176, %get3A_181, %dot_general3A_182 {dimension_numbers = #tpu.dot_dimension_numbers<[1], [0], [0], [1], [0, 0, 1, 1], [], []>, transpose_lhs_hint = false} : vector<3200x128xf32>, vector<128x64xf32>, vector<3200x64xf32> -> vector<3200x64xf32>
    %add3A_184 = arith.addf %add3A_163, %dot_general3A_183 : vector<3200x64xf32>
    %add3A_185 = arith.constant 12 : i32
    %add3A_186 = vector.broadcast %add3A_185 : i32 to vector<16x128xi32>
    %add3A_187 = arith.addi %add3A_186, %select_n3A : vector<16x128xi32>
    %eq3A_188 = arith.cmpi eq, %iota3A, %add3A_187 : vector<16x128xi32>
    %convert_element_type3A_189 = arith.extui %eq3A_188 : vector<16x128xi1> to vector<16x128xi32>
    %convert_element_type3A_190 = arith.sitofp %convert_element_type3A_189 : vector<16x128xi32> to vector<16x128xf32>
    %dot_general3A_191 = arith.constant dense<0.000000e+00> : vector<6400x128xf32>
    %dot_general3A_192 = tpu.matmul %max3A_32, %convert_element_type3A_190, %dot_general3A_191 {dimension_numbers = #tpu.dot_dimension_numbers<[1], [0], [0], [1], [0, 0, 1, 1], [], []>, transpose_lhs_hint = false} : vector<6400x16xf32>, vector<16x128xf32>, vector<6400x128xf32> -> vector<6400x128xf32>
    %mul3A_193 = arith.mulf %tile3A, %dot_general3A_192 : vector<6400x128xf32>
    %reshape3A_194 = vector.shape_cast %mul3A_193 : vector<6400x128xf32> to vector<400x2x8x128xf32>
    %reduce_sum3A_195 = arith.constant dense<0.000000e+00> : vector<400x8x128xf32>
    %reduce_sum3A_196 = vector.multi_reduction <add>, %reshape3A_194, %reduce_sum3A_195 [1] : vector<400x2x8x128xf32> to vector<400x8x128xf32>
    %reshape3A_197 = vector.shape_cast %reduce_sum3A_196 : vector<400x8x128xf32> to vector<3200x128xf32>
    %get3A_198 = arith.constant 6 : index
    %get3A_199 = arith.constant 0 : index
    %get3A_200 = arith.constant 0 : index
    %get3A_201 = vector.load %arg7[%get3A_198, %get3A_199, %get3A_200] : memref<8x128x64xf32, #tpu.memory_space<vmem>>, vector<1x128x64xf32>
    %get3A_202 = vector.shape_cast %get3A_201 : vector<1x128x64xf32> to vector<128x64xf32>
    %dot_general3A_203 = arith.constant dense<0.000000e+00> : vector<3200x64xf32>
    %dot_general3A_204 = tpu.matmul %reshape3A_197, %get3A_202, %dot_general3A_203 {dimension_numbers = #tpu.dot_dimension_numbers<[1], [0], [0], [1], [0, 0, 1, 1], [], []>, transpose_lhs_hint = false} : vector<3200x128xf32>, vector<128x64xf32>, vector<3200x64xf32> -> vector<3200x64xf32>
    %add3A_205 = arith.addf %add3A_184, %dot_general3A_204 : vector<3200x64xf32>
    %add3A_206 = arith.constant 14 : i32
    %add3A_207 = vector.broadcast %add3A_206 : i32 to vector<16x128xi32>
    %add3A_208 = arith.addi %add3A_207, %select_n3A : vector<16x128xi32>
    %eq3A_209 = arith.cmpi eq, %iota3A, %add3A_208 : vector<16x128xi32>
    %convert_element_type3A_210 = arith.extui %eq3A_209 : vector<16x128xi1> to vector<16x128xi32>
    %convert_element_type3A_211 = arith.sitofp %convert_element_type3A_210 : vector<16x128xi32> to vector<16x128xf32>
    %dot_general3A_212 = arith.constant dense<0.000000e+00> : vector<6400x128xf32>
    %dot_general3A_213 = tpu.matmul %max3A_32, %convert_element_type3A_211, %dot_general3A_212 {dimension_numbers = #tpu.dot_dimension_numbers<[1], [0], [0], [1], [0, 0, 1, 1], [], []>, transpose_lhs_hint = false} : vector<6400x16xf32>, vector<16x128xf32>, vector<6400x128xf32> -> vector<6400x128xf32>
    %mul3A_214 = arith.mulf %tile3A, %dot_general3A_213 : vector<6400x128xf32>
    %reshape3A_215 = vector.shape_cast %mul3A_214 : vector<6400x128xf32> to vector<400x2x8x128xf32>
    %reduce_sum3A_216 = arith.constant dense<0.000000e+00> : vector<400x8x128xf32>
    %reduce_sum3A_217 = vector.multi_reduction <add>, %reshape3A_215, %reduce_sum3A_216 [1] : vector<400x2x8x128xf32> to vector<400x8x128xf32>
    %reshape3A_218 = vector.shape_cast %reduce_sum3A_217 : vector<400x8x128xf32> to vector<3200x128xf32>
    %get3A_219 = arith.constant 7 : index
    %get3A_220 = arith.constant 0 : index
    %get3A_221 = arith.constant 0 : index
    %get3A_222 = vector.load %arg7[%get3A_219, %get3A_220, %get3A_221] : memref<8x128x64xf32, #tpu.memory_space<vmem>>, vector<1x128x64xf32>
    %get3A_223 = vector.shape_cast %get3A_222 : vector<1x128x64xf32> to vector<128x64xf32>
    %dot_general3A_224 = arith.constant dense<0.000000e+00> : vector<3200x64xf32>
    %dot_general3A_225 = tpu.matmul %reshape3A_218, %get3A_223, %dot_general3A_224 {dimension_numbers = #tpu.dot_dimension_numbers<[1], [0], [0], [1], [0, 0, 1, 1], [], []>, transpose_lhs_hint = false} : vector<3200x128xf32>, vector<128x64xf32>, vector<3200x64xf32> -> vector<3200x64xf32>
    %add3A_226 = arith.addf %add3A_205, %dot_general3A_225 : vector<3200x64xf32>
    %reshape3A_227 = vector.shape_cast %add3A_226 : vector<3200x64xf32> to vector<400x8x64xf32>
    %reduce_sum3A_228 = arith.constant dense<0.000000e+00> : vector<400x64xf32>
    %reduce_sum3A_229 = vector.multi_reduction <add>, %reshape3A_227, %reduce_sum3A_228 [1] : vector<400x8x64xf32> to vector<400x64xf32>
    %mul3A_230 = arith.constant 6.250000e-02 : f32
    %mul3A_231 = vector.broadcast %mul3A_230 : f32 to vector<400x64xf32>
    %mul3A_232 = arith.mulf %reduce_sum3A_229, %mul3A_231 : vector<400x64xf32>
    %get3A_233 = arith.constant 0 : index
    %get3A_234 = arith.constant 0 : index
    %get3A_235 = vector.load %arg8[%get3A_233, %get3A_234] : memref<1x64xf32, #tpu.memory_space<vmem>>, vector<1x64xf32>
    %add3A_236 = vector.broadcast %get3A_235 : vector<1x64xf32> to vector<400x64xf32>
    %add3A_237 = arith.addf %mul3A_232, %add3A_236 : vector<400x64xf32>
    %max3A_238 = arith.constant 0.000000e+00 : f32
    %max3A_239 = vector.broadcast %max3A_238 : f32 to vector<400x64xf32>
    %max3A_240 = arith.maximumf %add3A_237, %max3A_239 : vector<400x64xf32>
    %swap3A = arith.constant 0 : index
    %swap3A_241 = arith.constant 0 : index
    %swap3A_242 = vector.load %arg9[%swap3A, %swap3A_241] : memref<400x64xf32, #tpu.memory_space<vmem>>, vector<400x64xf32>
    tpu.vector_store %arg9[%swap3A, %swap3A_241], %max3A_240 {strides = array<i32>} : memref<400x64xf32, #tpu.memory_space<vmem>>, vector<400x64xf32>,
    return
  }
  func.func @transform_0(%arg0: i32) -> (i32, i32) {
    %c0_i32 = arith.constant 0 : i32
    %c0_i32_0 = arith.constant 0 : i32
    return %arg0, %c0_i32 : i32, i32
  }
  func.func @transform_1(%arg0: i32) -> (i32, i32) {
    %c0_i32 = arith.constant 0 : i32
    %c0_i32_0 = arith.constant 0 : i32
    return %arg0, %c0_i32 : i32, i32
  }
  func.func @transform_2(%arg0: i32) -> (i32, i32) {
    %c0_i32 = arith.constant 0 : i32
    %c0_i32_0 = arith.constant 0 : i32
    %c0_i32_1 = arith.constant 0 : i32
    return %c0_i32, %c0_i32_0 : i32, i32
  }
  func.func @transform_3(%arg0: i32) -> (i32, i32) {
    %c0_i32 = arith.constant 0 : i32
    %c0_i32_0 = arith.constant 0 : i32
    %c0_i32_1 = arith.constant 0 : i32
    return %c0_i32, %c0_i32_0 : i32, i32
  }
  func.func @transform_4(%arg0: i32) -> (i32, i32) {
    %c0_i32 = arith.constant 0 : i32
    %c0_i32_0 = arith.constant 0 : i32
    %c0_i32_1 = arith.constant 0 : i32
    return %c0_i32, %c0_i32_0 : i32, i32
  }
  func.func @transform_5(%arg0: i32) -> (i32, i32) {
    %c0_i32 = arith.constant 0 : i32
    %c0_i32_0 = arith.constant 0 : i32
    %c0_i32_1 = arith.constant 0 : i32
    return %c0_i32, %c0_i32_0 : i32, i32
  }
  func.func @transform_6(%arg0: i32) -> (i32, i32, i32) {
    %c0_i32 = arith.constant 0 : i32
    %c0_i32_0 = arith.constant 0 : i32
    %c0_i32_1 = arith.constant 0 : i32
    %c0_i32_2 = arith.constant 0 : i32
    return %c0_i32, %c0_i32_0, %c0_i32_1 : i32, i32, i32
  }
  func.func @transform_7(%arg0: i32) -> (i32, i32) {
    %c0_i32 = arith.constant 0 : i32
    %c0_i32_0 = arith.constant 0 : i32
    %c0_i32_1 = arith.constant 0 : i32
    return %c0_i32, %c0_i32_0 : i32, i32
  }
  func.func @transform_8(%arg0: i32) -> (i32, i32) {
    %c0_i32 = arith.constant 0 : i32
    %c0_i32_0 = arith.constant 0 : i32
    return %arg0, %c0_i32 : i32, i32
  }
}

</mosaic_0001>

<sc_bundles>
// kernel: kernel.10.cloned.1.call-start
scs
__scs_entry_jumppad:
0x0: {  	(pc) =	sbr.rel $0x88, $3  }
0x1: {  	(tag) =	ssettag $0x0;
	lr =	simm.s32 $0x1  }
0x2: {  	[smem:$0x3F94] =	sst lr;
	_ =	strace $0xD0000000  }
0x3: {  	_ = 	snop  }
0x4: {  	_ = 	snop  }
0x5: {  	_ = 	snop  }
0x6: {  	_ = 	snop  }
0x7: {  	_ = 	snop  }
__scs_overlays_trampoline_lowered:
0x8: {  	[smem:$0x3FA3] =	sst s0  }
0x9: {  	[smem:$0x3FA4] =	sst s1  }
0xa: {  	[smem:$0x3FA5] =	sst s2  }
0xb: {  	[smem:$0x3FA6] =	sst s3  }
0xc: {  	[smem:$0x3FA7] =	sst s4  }
0xd: {  	[smem:$0x3FA8] =	sst s5  }
0xe: {  	[smem:$0x3FA9] =	sst s6  }
0xf: {  	[smem:$0x3FAA] =	sst s7  }
0x10: {  	[smem:$0x3FAB] =	sst s8  }
0x11: {  	[smem:$0x3FAC] =	sst s9;
	s0 =	simm.s32 @!p0 $0x0  }
0x12: {  	s1 =	sld [smem:$0x3F92];
	s0 =	simm.s32 @p0 $0x1  }
0x13: {  	[smem:$0x3FAD] =	sst s0;
	s0 =	simm.s32 @!p1 $0x0  }
0x14: {  	s2 =	sld [smem:$0x3F91];
	s0 =	simm.s32 @p1 $0x1  }
0x15: {  	[smem:$0x3FAE] =	sst s0;
	s0 =	simm.s32 @!p2 $0x0  }
0x16: {  	s3 =	sld [smem:$0x3FDB];
	s0 =	simm.s32 @p2 $0x1  }
0x17: {  	s4 =	simm.s32 $0x1BF5;
	[smem:$0x3FB0] =	sst s0  }
0x18: {  	s0 =	sld [smem:$0x3F93];
	_ =	swait.ge [sflag:s4], $0x0  }
0x19: {  	s7 =	sld [smem:$0x3F94]  }
0x1a: {  	s8 =	sadd.s32 $0xFFFFE003, lr  }
0x1b: {  	s9 =	sadd.s32 $0xFFFFFEF7, lr;
	s5 =	simm.s32 $0xFFFFFFFF;
	p2 =	slt.u32 s8, $0xFFFFF086  }
0x1c: {  	p1 =	slt.u32 s9, $0xF7A;
	s5 =	simm.s32 @!p2 $0x0  }
0x1d: {  	s5 =	simm.s32 @p1 $0x1;
	p0 =	seq.s32 s7, s2  }
0x1e: {  	s7 =	smul.u32 @!p0 $0xF7A, s2;
	p2 =	seq.s32 @!p0 s5, $0x0  }
0x1f: {  	s9 =	smul.u32 $0xF7A, s1;
	s8 =	simm.s32 @!p0 $0x1BF5;
	p2 =	por !p2, p0  }
0x20: {  	[sflag:s8] =	ssyncset.s32 @!p0 $0xFFFFF086;
	s6 =	sadd.s32 @!p0 s3, s7;
	s7 =	simm.s32 @!p0 $0x108  }
0x21: {  	s3 =	sadd.s32 s3, s9;
	s6 =	sadd.s32 @!p0 $0x88, s6;
	s7 =	simm.s32 @p2 $0x1082  }
0x22: {  	[simem:s7], [sflag:s8] =	dma.local @!p0 [hbm:s6], $0xF7A  }
0x23: {  	s9 =	sor.u32 $0xD0000000, s2;
	s6 =	simm.s32 $0x108;
	_ =	swait.ge @!p0 [sflag:s8], $0x0  }
0x24: {  	s3 =	sadd.s32 $0x88, s3;
	s6 =	simm.s32 @!p1 $0x1082;
	[sflag:s4] =	ssyncset.s32 $0xFFFFF086  }
0x25: {  	[simem:s6], [sflag:s4] =	dma.local [hbm:s3], $0xF7A  }
0x26: {  	[smem:$0x3F94] =	sst s1;
	(tag) =	ssettag s2;
	_ =	strace s9  }
0x27: {  	s1 =	sld [smem:$0x3FA4]  }
0x28: {  	s2 =	sld [smem:$0x3FA5]  }
0x29: {  	s4 =	sld [smem:$0x3FA7]  }
0x2a: {  	p0 =	seq.s32 s5, $0x0;
	s5 =	sld [smem:$0x3FA8]  }
0x2b: {  	s6 =	sld [smem:$0x3FA9]  }
0x2c: {  	s7 =	sld [smem:$0x3FAA]  }
0x2d: {  	s3 =	simm.s32 $0x108;
	s8 =	sld [smem:$0x3FAB]  }
0x2e: {  	s3 =	simm.s32 @!p0 $0x1082;
	s9 =	sld [smem:$0x3FAC]  }
0x2f: {  	lr =	sadd.s32 s0, s3;
	s0 =	sld [smem:$0x3FA3]  }
0x30: {  	s3 =	sld [smem:$0x3FA6]  }
0x31: {  	[smem:$0x3FAF] =	sst s10  }
0x32: {  	s10 =	sld [smem:$0x3FAD];
	_ =	sdelay $0x3  }
0x33: {  	p0 =	seq.s32 s10, $0x1;
	s10 =	sld [smem:$0x3FAF];
	_ =	sdelay $0x3  }
0x34: {  	[smem:$0x3FAF] =	sst s10  }
0x35: {  	s10 =	sld [smem:$0x3FAE];
	_ =	sdelay $0x3  }
0x36: {  	p1 =	seq.s32 s10, $0x1;
	s10 =	sld [smem:$0x3FAF];
	_ =	sdelay $0x3  }
0x37: {  	[smem:$0x3FAF] =	sst s10  }
0x38: {  	s10 =	sld [smem:$0x3FB0]  }
0x39: {  	_ = 	snop;
	(pc) =	sbr.ind lr, $3  }
0x3a: {  	_ = 	snop  }
0x3b: {  	_ = 	snop  }
0x3c: {  	p2 =	seq.s32 s10, $0x1;
	s10 =	sld [smem:$0x3FAF]  }
0x3d: {  	_ =	shalt  }
0x3e: {  	_ =	shalt  }
0x3f: {  	_ =	shalt  }
0x40: {  	_ =	shalt  }
0x41: {  	_ =	shalt  }
0x42: {  	_ =	shalt  }
0x43: {  	_ =	shalt  }
0x44: {  	_ =	shalt  }
0x45: {  	_ =	shalt  }
0x46: {  	_ =	shalt  }
0x47: {  	_ =	shalt  }
0x48: {  	_ =	shalt  }
0x49: {  	_ =	shalt  }
0x4a: {  	_ =	shalt  }
0x4b: {  	_ =	shalt  }
0x4c: {  	_ =	shalt  }
0x4d: {  	_ =	shalt  }
0x4e: {  	_ =	shalt  }
0x4f: {  	_ =	shalt  }
0x50: {  	_ =	shalt  }
0x51: {  	_ =	shalt  }
0x52: {  	_ =	shalt  }
0x53: {  	_ =	shalt  }
0x54: {  	_ =	shalt  }
0x55: {  	_ =	shalt  }
0x56: {  	_ =	shalt  }
0x57: {  	_ =	shalt  }
0x58: {  	_ =	shalt  }
0x59: {  	_ =	shalt  }
0x5a: {  	_ =	shalt  }
0x5b: {  	_ =	shalt  }
0x5c: {  	_ =	shalt  }
0x5d: {  	_ =	shalt  }
0x5e: {  	_ =	shalt  }
0x5f: {  	_ =	shalt  }
0x60: {  	_ =	shalt  }
0x61: {  	_ =	shalt  }
0x62: {  	_ =	shalt  }
0x63: {  	_ =	shalt  }
0x64: {  	_ =	shalt  }
0x65: {  	_ =	shalt  }
0x66: {  	_ =	shalt  }
0x67: {  	_ =	shalt  }
0x68: {  	_ =	shalt  }
0x69: {  	_ =	shalt  }
0x6a: {  	_ =	shalt  }
0x6b: {  	_ =	shalt  }
0x6c: {  	_ =	shalt  }
0x6d: {  	_ =	shalt  }
0x6e: {  	_ =	shalt  }
0x6f: {  	_ =	shalt  }
0x70: {  	_ =	shalt  }
0x71: {  	_ =	shalt  }
0x72: {  	_ =	shalt  }
0x73: {  	_ =	shalt  }
0x74: {  	_ =	shalt  }
0x75: {  	_ =	shalt  }
0x76: {  	_ =	shalt  }
0x77: {  	_ =	shalt  }
0x78: {  	_ =	shalt  }
0x79: {  	_ =	shalt  }
0x7a: {  	_ =	shalt  }
0x7b: {  	_ =	shalt  }
0x7c: {  	_ =	shalt  }
0x7d: {  	_ =	shalt  }
0x7e: {  	_ =	shalt  }
0x7f: {  	_ =	shalt  }
0x80: {  	_ =	shalt  }
0x81: {  	_ =	shalt  }
0x82: {  	_ =	shalt  }
0x83: {  	_ =	shalt  }
0x84: {  	_ =	shalt  }
0x85: {  	_ =	shalt  }
0x86: {  	_ =	shalt  }
0x87: {  	_ =	shalt  }
.Lfunc_end0:
.L_simem_size_0:
called_computation.1_lowered:
.L_overlay_start_0:
0x88: {  	s2 =	sld [smem:$0x3FD9]  }
0x89: {  	s3 =	sld [smem:$0x3FFE];
	_ =	sdelay $0x1  }
0x8a: {  	s1 =	srdreg.scid  }
0x8b: {  	s0 =	sand.u32 $0x1, s1  }
0x8c: {  	s16 =	sshll.u32 s0, $0xA;
	s2 =	sadd.s32 s3, s2  }
0x8d: {  	s2 =	sadd.s32 s2, s16  }
0x8e: {  	[smem:$0x3FBB] =	sst s2  }
0x8f: {  	_ = 	snop  }
0x90: {  	(tm) =	ssettm $0x1  }
0x91: {  	s17 =	sld [smem:$0x3FFB];
	_ =	sdelay $0x3  }
0x92: {  	_ =	strace s17  }
0x93: {  	s2 =	sld [smem:$0x3FFC];
	_ =	sdelay $0x3  }
0x94: {  	_ =	strace s2  }
0x95: {  	s2 =	sld [smem:$0x3FFD];
	_ =	sdelay $0x3  }
0x96: {  	_ =	strace s2  }
0x97: {  	_ =	strace $0x8FFFFFFF  }
0x98: {  	s18 =	sld [smem:$0x3FDB];
	_ =	sdelay $0x1  }
0x99: {  	s19 =	simm.s32 $_scs_section_size  }
0x9a: {  	s4 =	simm.s32 $_size__tile_overlayer_lowered;
	s5 =	simm.s32 $_tile_overlayer_lowered  }
0x9b: {  	s22 =	simm.s32 $0x1BFF;
	s21 =	sshll.u32 s5, $0x1;
	s2 =	sadd.s32 s19, s18  }
0x9c: {  	s6 =	simm.s32 $0x0;
	s20 =	sshll.u32 s4, $0x1;
	s4 =	sadd.s32 s21, s2  }
0x9d: {  	[timem:s6], [sflag:s22] =	dma.local [hbm:s4], s20  }
0x9e: {  	_ =	swait.ge [sflag:s22], s20  }
0x9f: {  	s3 =	ssub.s32 $0x0, s20;
	[sflag:s22] =	ssyncset.done $0x0  }
0xa0: {  	[sflag:s22] =	ssyncadd.s32 s3;
	_ =	sdelay $0x1  }
0xa1: {  	s23 =	simm.s32 $0x1B8B  }
0xa2: {  	_ =	swait.ge [sflag:s23], $0x1  }
0xa3: {  	[sflag:s23] =	ssyncset.done $0x0  }
0xa4: {  	s25 =	simm.s32 $0x1B8E;
	s24 =	sld [smem:$0x3FFE];
	[sflag:s23] =	ssyncadd.s32 $0xFFFFFFFF  }
0xa5: {  	s26 =	simm.s32 $execute0_lowered;
	[smem:$0x3FD2] =	sst s25  }
0xa6: {  	s4 =	sshll.u32 s26, $0x1;
	_ =	strace $0x80000046;
	[dreg:$0x1] =	wrdreg $0xFFFFFFFF  }
0xa7: {  	s28 =	simm.s32 $_size_execute0_lowered;
	s2 =	sadd.s32 s2, s4;
	[dreg:$0x0] =	wrdreg $0x0  }
0xa8: {  	s4 =	sshll.u32 s28, $0x1;
	[dreg:$0x2] =	wrdreg s2  }
0xa9: {  	[dreg:$0x3] =	wrdreg s4  }
0xaa: {  	[dreg:$0x4] =	wrdreg $0xC0  }
0xab: {  	_ =	task [dreg:s6], $0x5FFFF  }
0xac: {  	[dreg:$0x1] =	wrdreg $0xFFFFFFFF  }
0xad: {  	[dreg:$0x0] =	wrdreg $0x60  }
0xae: {  	[dreg:$0x2] =	wrdreg s24  }
0xaf: {  	[dreg:$0x3] =	wrdreg $0xA  }
0xb0: {  	_ =	task.clear_ibuf [dreg:s6], $0x4FFFF;
	_ =	strace $0x90000046  }
0xb1: {  	s29 =	simm.s32 $0xA;
	_ =	strace $0x80000048  }
0xb2: {  	_ =	swait.ge [sflag:s29], $0x1  }
0xb3: {  	[sflag:s29] =	ssyncadd.s32 $0xFFFFFFFF  }
0xb4: {  	_ =	strace $0x90000048  }
0xb5: {  	_ =	sfence  }
0xb6: {  	s30 =	sld [smem:$0x0];
	_ =	sdelay $0x2  }
0xb7: {  	s31 =	sshll.u32 s1, $0xD;
	s1 =	sshrl.u32 s1, $0x2  }
0xb8: {  	s3 =	sand.u32 $0x4000, s31;
	s1 =	sadd.s32 s1, s30  }
0xb9: {  	s0 =	sor.u32 s3, s0;
	s1 =	sshll.u32 s1, $0x11  }
0xba: {  	s0 =	sor.u32 s1, s0  }
0xbb: {  	s0 =	sadd.s32 $0x8F2B, s0  }
0xbc: {  	[sflag:s0] =	ssyncadd.remote.s32 $0x1  }
0xbd: {  	_ =	sfence.sel $0xFFFF  }
0xbe: {  	[dreg:$0x0] =	wrdreg $0xFFFFFFFF;
	(pc) =	sbr.abs _section_cstart, $3  }
0xbf: {  	[dreg:$0x1] =	wrdreg $0xFFFFFFFF  }
0xc0: {  	_ =	task.clear_ibuf [dreg:s6], $0x2FFFF;
	_ =	strace $0x9FFFFFFF  }
0xc1: {  	(tm) =	ssettm $0x7FFFFFFF  }
tec
execute0_lowered:
.L_overlay_start_1:
0x0: {  	(tag) =	ssettag $0x1  }
0x1: {  	s1 =	srdreg.scid  }
0x2: {  	s0 =	stileid.u32;
	s4 =	rddreg [dreg:$0x0];
	s2 =	simm.s32 $0x0  }
0x3: {  	s12 =	simm.s32 $0x9300;
	s13 =	simm.s32 $0x1;
	s14 =	simm.s32 $0x2  }
0x4: {  	s15 =	simm.s32 $0x2E18;
	s16 =	simm.s32 $0x0;
	s6 =	sand.u32 $0x1, s1  }
0x5: {  	s29 =	sshll.u32 s0, $0x1;
	[smem:$0x7FF] =	sst s2;
	s10 =	smul.u32 $0x5DC00, s0  }
0x6: {  	s9 =	sadd.s32 $0x3DEE00, s4;
	s3 =	sor.u32 s6, s29;
	s11 =	smul.u32 $0x2EE00, s6  }
0x7: {  	s1 =	rddreg [dreg:$0x1];
	_ =	strace $0x80000047;
	s5 =	smul.u32 $0x2EE0, s3  }
0x8: {  	s8 =	ssub.s32 $0x2, s6;
	s7 =	smul.u32 $0x177000, s3;
	s3 =	sadd.s32 $0x31B800, s4  }
0x9: {  	s30 =	sshrl.u32 s8, $0x1;
	s31 =	sadd.s32 s10, s9;
	s10 =	simm.s32 $0xC8  }
0xa: {  	s8 =	ssub.s32 s8, s30;
	s5 =	sshrl.u32 s5, $0x3;
	s7 =	sshrl.u32 s7, $0x3  }
0xb: {  	s5 =	sadd.s32 s5, s4;
	s7 =	sadd.s32 s9, s7;
	s9 =	simm.s32 $0x3  }
0xc: {  	s4 =	sadd.s32 $0x24C600, s5;
	s5 =	sadd.s32 $0x2D500, s7;
	s6 =	sadd.s32 $0x2E180, s7  }
0xd: {  	s7 =	smax.u32 s8, $0x1;
	s8 =	sadd.s32 s11, s31;
	s11 =	simm.s32 $0x2F00  }
.LBB2_1:
0xe: {  	[tilespmem:s2], [sflag:$0x3] =	stream.linear.gather [hbm4b:s4+s2], $0x2EE0, $0x38;
	[tilespmem:$0xF700] =	vst v63  }
0xf: {  	_ =	swait.ge [sflag:s9], $0x2EE0  }
0x10: {  	[sflag:s9] =	ssyncset.done $0x0  }
0x11: {  	[sflag:s9] =	ssyncadd.s32 $0xFFFFD120  }
0x12: {  	[tilespmem:s11], [sflag:$0x1] =	stream.indirect.gather [hbm4b:s3+s10], $0x80, s2, s10, $0xb8;
	[tilespmem:$0xF700] =	vst v63  }
0x13: {  	s17 =	simm.s32 $0xC8  }
0x14: {  	[tilespmem:s12], [sflag:$0x2] =	stream.indirect.gather [hbm4b:s3+s10], $0x80, s17, s10, $0xb8;
	[tilespmem:$0xF700] =	vst v63  }
0x15: {  	_ =	swait.ge [sflag:s13], $0x6400  }
0x16: {  	[sflag:s13] =	ssyncset.done $0x0  }
0x17: {  	s31 =	sadd.s32 $0x0, s8;
	[sflag:s13] =	ssyncadd.s32 $0xFFFF9C00  }
0x18: {  	[hbm4b:s31+s2] =	stream.linear.scatter [tilespmem:s11], [sflag:$0x3], $0x6400, $0x38;
	[tilespmem:$0xF700] =	vst v63  }
0x19: {  	_ =	swait.ge [sflag:s9], $0x6400  }
0x1a: {  	[sflag:s9] =	ssyncset.done $0x0  }
0x1b: {  	s18 =	simm.s32 $0x190;
	[sflag:s9] =	ssyncadd.s32 $0xFFFF9C00  }
0x1c: {  	[tilespmem:s11], [sflag:$0x1] =	stream.indirect.gather [hbm4b:s3+s10], $0x80, s18, s10, $0xb8;
	[tilespmem:$0xF700] =	vst v63  }
0x1d: {  	_ =	swait.ge [sflag:s14], $0x6400  }
0x1e: {  	[sflag:s14] =	ssyncset.done $0x0  }
0x1f: {  	s17 =	sadd.s32 $0xC80, s31;
	[sflag:s14] =	ssyncadd.s32 $0xFFFF9C00  }
0x20: {  	[hbm4b:s17+s2] =	stream.linear.scatter [tilespmem:s12], [sflag:$0x3], $0x6400, $0x38;
	[tilespmem:$0xF700] =	vst v63  }
0x21: {  	s19 =	simm.s32 $0x3200;
	_ =	swait.ge [sflag:s9], $0x6400  }
0x22: {  	s18 =	simm.s32 $0x1900;
	s17 =	simm.s32 $0x320;
	[sflag:s9] =	ssyncset.done $0x0  }
.LBB2_2:
0x23: {  	p0 =	sne.s32 s19, $0x2BC00;
	s20 =	sadd.s32 $0xFFFFFF38, s17;
	[sflag:s9] =	ssyncadd.s32 $0xFFFF9C00  }
0x24: {  	[tilespmem:s12], [sflag:$0x2] =	stream.indirect.gather [hbm4b:s3+s10], $0x80, s20, s10, $0xb8;
	[tilespmem:$0xF700] =	vst v63  }
0x25: {  	s20 =	smov.u32 s19;
	s19 =	sadd.s32 $0x1900, s19;
	_ =	swait.ge [sflag:s13], $0x6400  }
0x26: {  	[sflag:s13] =	ssyncset.done $0x0  }
0x27: {  	s21 =	sadd.s32 s18, s8;
	s18 =	smov.u32 s20;
	[sflag:s13] =	ssyncadd.s32 $0xFFFF9C00  }
0x28: {  	[hbm4b:s21+s2] =	stream.linear.scatter [tilespmem:s11], [sflag:$0x3], $0x6400, $0x38;
	[tilespmem:$0xF700] =	vst v63  }
0x29: {  	_ =	swait.ge [sflag:s9], $0x6400  }
0x2a: {  	[sflag:s9] =	ssyncset.done $0x0  }
0x2b: {  	[sflag:s9] =	ssyncadd.s32 $0xFFFF9C00  }
0x2c: {  	[tilespmem:s11], [sflag:$0x1] =	stream.indirect.gather [hbm4b:s3+s10], $0x80, s17, s10, $0xb8;
	[tilespmem:$0xF700] =	vst v63  }
0x2d: {  	_ =	swait.ge [sflag:s14], $0x6400  }
.Ltmp0:
0x2e: {  	[sflag:s14] =	ssyncset.done $0x0;
	(pc) =	sbr.rel @p0 .LBB2_2-.Ltmp0, $4  }
0x2f: {  	s20 =	sadd.s32 $0xC80, s21;
	[sflag:s14] =	ssyncadd.s32 $0xFFFF9C00  }
0x30: {  	[hbm4b:s20+s2] =	stream.linear.scatter [tilespmem:s12], [sflag:$0x3], $0x6400, $0x38;
	[tilespmem:$0xF700] =	vst v63  }
0x31: {  	_ =	swait.ge [sflag:s9], $0x6400  }
0x32: {  	s17 =	sadd.s32 $0x190, s17;
	[sflag:s9] =	ssyncset.done $0x0  }
0x33: {  	s19 =	sadd.s32 $0xFFFFFF38, s17;
	[sflag:s9] =	ssyncadd.s32 $0xFFFF9C00  }
0x34: {  	[tilespmem:s12], [sflag:$0x2] =	stream.indirect.gather [hbm4b:s3+s10], $0x80, s19, s10, $0xb8;
	[tilespmem:$0xF700] =	vst v63  }
0x35: {  	_ =	swait.ge [sflag:s13], $0x6400  }
0x36: {  	[sflag:s13] =	ssyncset.done $0x0  }
0x37: {  	s18 =	sadd.s32 s18, s8;
	[sflag:s13] =	ssyncadd.s32 $0xFFFF9C00  }
0x38: {  	[hbm4b:s18+s2] =	stream.linear.scatter [tilespmem:s11], [sflag:$0x3], $0x6400, $0x38;
	[tilespmem:$0xF700] =	vst v63  }
0x39: {  	_ =	swait.ge [sflag:s9], $0x6400  }
0x3a: {  	[sflag:s9] =	ssyncset.done $0x0  }
0x3b: {  	[sflag:s9] =	ssyncadd.s32 $0xFFFF9C00  }
0x3c: {  	[tilespmem:s11], [sflag:$0x1] =	stream.indirect.gather [hbm4b:s3+s10], $0x80, s17, s10, $0xb8;
	[tilespmem:$0xF700] =	vst v63  }
0x3d: {  	_ =	swait.ge [sflag:s14], $0x6400  }
0x3e: {  	[sflag:s14] =	ssyncset.done $0x0  }
0x3f: {  	s31 =	sadd.s32 $0xC80, s18;
	[sflag:s14] =	ssyncadd.s32 $0xFFFF9C00  }
0x40: {  	[hbm4b:s31+s2] =	stream.linear.scatter [tilespmem:s12], [sflag:$0x3], $0x6400, $0x38;
	[tilespmem:$0xF700] =	vst v63  }
0x41: {  	_ =	swait.ge [sflag:s9], $0x6400  }
0x42: {  	[sflag:s9] =	ssyncset.done $0x0  }
0x43: {  	[sflag:s9] =	ssyncadd.s32 $0xFFFF9C00  }
0x44: {  	[tilespmem:s12], [sflag:$0x2] =	stream.indirect.gather [hbm4b:s3+s10], $0x80, s15, s10, $0xb8;
	[tilespmem:$0xF700] =	vst v63  }
0x45: {  	_ =	swait.ge [sflag:s13], $0x6400  }
0x46: {  	[sflag:s13] =	ssyncset.done $0x0  }
0x47: {  	[sflag:s13] =	ssyncadd.s32 $0xFFFF9C00  }
0x48: {  	[hbm4b:s5+s2] =	stream.linear.scatter [tilespmem:s11], [sflag:$0x3], $0x6400, $0x38;
	[tilespmem:$0xF700] =	vst v63  }
0x49: {  	_ =	swait.ge [sflag:s9], $0x6400  }
0x4a: {  	[sflag:s9] =	ssyncset.done $0x0  }
0x4b: {  	[sflag:s9] =	ssyncadd.s32 $0xFFFF9C00  }
0x4c: {  	s16 =	sadd.s32 $0x1, s16;
	_ =	swait.ge [sflag:s14], $0x6400  }
0x4d: {  	p0 =	sne.s32 s16, s7;
	[sflag:s14] =	ssyncset.done $0x0  }
.Ltmp1:
0x4e: {  	[sflag:s14] =	ssyncadd.s32 $0xFFFF9C00;
	(pc) =	sbr.rel @p0 .LBB2_1-.Ltmp1, $4  }
0x4f: {  	[hbm4b:s6+s2] =	stream.linear.scatter [tilespmem:s12], [sflag:$0x3], $0x6400, $0x38;
	[tilespmem:$0xF700] =	vst v63  }
0x50: {  	_ =	swait.ge [sflag:s9], $0x6400  }
0x51: {  	[sflag:s9] =	ssyncset.done $0x0  }
0x52: {  	[sflag:s9] =	ssyncadd.s32 $0xFFFF9C00  }
0x53: {  	_ =	sfence.sel $0x180000  }
0x54: {  	[bflag:$0x0] =	sbarrier.arrive $0xFFFF  }
0x55: {  	p0 =	sne.s32 s0, $0x0;
	_ =	strace $0x90000047  }
0x56: {  	s0 =	sadd.s32 @!p0 $0x100000, s1;
	[bflag:$0x2] =	sbarrier.arrive $0xFFFF  }
0x57: {  	[sflag:s0] =	ssyncadd.tile.s32 @!p0 $0x1;
	_ =	shalt  }
.Lfunc_end2:
_tile_overlayer_lowered:
.L_overlay_start_2:
0x58: {  	(tag) =	ssettag $0x2  }
0x59: {  	s0 =	rddreg [dreg:$0x0];
	s2 =	stileid.u32  }
0x5a: {  	s1 =	rddreg [dreg:$0x1];
	p0 =	sne.s32 s2, $0x0  }
0x5b: {  	s3 =	rddreg [dreg:$0x2];
	[bflag:$0x3] =	sbarrier.arrive $0xFFFF;
	s2 =	simm.s32 @!p0 $0x1C03  }
0x5c: {  	[timem:s3], [sflag:s2] =	dma.local @!p0 [hbm:s0], s1  }
0x5d: {  	s0 =	simm.s32 @!p0 $0x3  }
0x5e: {  	_ =	swait.ge @!p0 [sflag:s0], s1  }
0x5f: {  	s1 =	ssub.s32 @!p0 $0x0, s1;
	[sflag:s0] =	ssyncset.done @!p0 $0x0  }
0x60: {  	[sflag:s0] =	ssyncadd.s32 @!p0 s1  }
0x61: {  	[bflag:$0x3] =	sbarrier.arrive $0xFFFF  }
0x62: {  	_ =	shalt  }

// kernel: kernel.7.cloned.1.call-start
scs
__scs_entry_jumppad:
0x0: {  	(pc) =	sbr.rel $0x88, $3  }
0x1: {  	(tag) =	ssettag $0x0;
	lr =	simm.s32 $0x1  }
0x2: {  	[smem:$0x3F94] =	sst lr;
	_ =	strace $0xD0000000  }
0x3: {  	_ = 	snop  }
0x4: {  	_ = 	snop  }
0x5: {  	_ = 	snop  }
0x6: {  	_ = 	snop  }
0x7: {  	_ = 	snop  }
__scs_overlays_trampoline_lowered:
0x8: {  	[smem:$0x3FA3] =	sst s0  }
0x9: {  	[smem:$0x3FA4] =	sst s1  }
0xa: {  	[smem:$0x3FA5] =	sst s2  }
0xb: {  	[smem:$0x3FA6] =	sst s3  }
0xc: {  	[smem:$0x3FA7] =	sst s4  }
0xd: {  	[smem:$0x3FA8] =	sst s5  }
0xe: {  	[smem:$0x3FA9] =	sst s6  }
0xf: {  	[smem:$0x3FAA] =	sst s7  }
0x10: {  	[smem:$0x3FAB] =	sst s8  }
0x11: {  	[smem:$0x3FAC] =	sst s9;
	s0 =	simm.s32 @!p0 $0x0  }
0x12: {  	s1 =	sld [smem:$0x3F92];
	s0 =	simm.s32 @p0 $0x1  }
0x13: {  	[smem:$0x3FAD] =	sst s0;
	s0 =	simm.s32 @!p1 $0x0  }
0x14: {  	s2 =	sld [smem:$0x3F91];
	s0 =	simm.s32 @p1 $0x1  }
0x15: {  	[smem:$0x3FAE] =	sst s0;
	s0 =	simm.s32 @!p2 $0x0  }
0x16: {  	s3 =	sld [smem:$0x3FDB];
	s0 =	simm.s32 @p2 $0x1  }
0x17: {  	s4 =	simm.s32 $0x1BF5;
	[smem:$0x3FB0] =	sst s0  }
0x18: {  	s0 =	sld [smem:$0x3F93];
	_ =	swait.ge [sflag:s4], $0x0  }
0x19: {  	s7 =	sld [smem:$0x3F94]  }
0x1a: {  	s8 =	sadd.s32 $0xFFFFE003, lr  }
0x1b: {  	s9 =	sadd.s32 $0xFFFFFEF7, lr;
	s5 =	simm.s32 $0xFFFFFFFF;
	p2 =	slt.u32 s8, $0xFFFFF086  }
0x1c: {  	p1 =	slt.u32 s9, $0xF7A;
	s5 =	simm.s32 @!p2 $0x0  }
0x1d: {  	s5 =	simm.s32 @p1 $0x1;
	p0 =	seq.s32 s7, s2  }
0x1e: {  	s7 =	smul.u32 @!p0 $0xF7A, s2;
	p2 =	seq.s32 @!p0 s5, $0x0  }
0x1f: {  	s9 =	smul.u32 $0xF7A, s1;
	s8 =	simm.s32 @!p0 $0x1BF5;
	p2 =	por !p2, p0  }
0x20: {  	[sflag:s8] =	ssyncset.s32 @!p0 $0xFFFFF086;
	s6 =	sadd.s32 @!p0 s3, s7;
	s7 =	simm.s32 @!p0 $0x108  }
0x21: {  	s3 =	sadd.s32 s3, s9;
	s6 =	sadd.s32 @!p0 $0x88, s6;
	s7 =	simm.s32 @p2 $0x1082  }
0x22: {  	[simem:s7], [sflag:s8] =	dma.local @!p0 [hbm:s6], $0xF7A  }
0x23: {  	s9 =	sor.u32 $0xD0000000, s2;
	s6 =	simm.s32 $0x108;
	_ =	swait.ge @!p0 [sflag:s8], $0x0  }
0x24: {  	s3 =	sadd.s32 $0x88, s3;
	s6 =	simm.s32 @!p1 $0x1082;
	[sflag:s4] =	ssyncset.s32 $0xFFFFF086  }
0x25: {  	[simem:s6], [sflag:s4] =	dma.local [hbm:s3], $0xF7A  }
0x26: {  	[smem:$0x3F94] =	sst s1;
	(tag) =	ssettag s2;
	_ =	strace s9  }
0x27: {  	s1 =	sld [smem:$0x3FA4]  }
0x28: {  	s2 =	sld [smem:$0x3FA5]  }
0x29: {  	s4 =	sld [smem:$0x3FA7]  }
0x2a: {  	p0 =	seq.s32 s5, $0x0;
	s5 =	sld [smem:$0x3FA8]  }
0x2b: {  	s6 =	sld [smem:$0x3FA9]  }
0x2c: {  	s7 =	sld [smem:$0x3FAA]  }
0x2d: {  	s3 =	simm.s32 $0x108;
	s8 =	sld [smem:$0x3FAB]  }
0x2e: {  	s3 =	simm.s32 @!p0 $0x1082;
	s9 =	sld [smem:$0x3FAC]  }
0x2f: {  	lr =	sadd.s32 s0, s3;
	s0 =	sld [smem:$0x3FA3]  }
0x30: {  	s3 =	sld [smem:$0x3FA6]  }
0x31: {  	[smem:$0x3FAF] =	sst s10  }
0x32: {  	s10 =	sld [smem:$0x3FAD];
	_ =	sdelay $0x3  }
0x33: {  	p0 =	seq.s32 s10, $0x1;
	s10 =	sld [smem:$0x3FAF];
	_ =	sdelay $0x3  }
0x34: {  	[smem:$0x3FAF] =	sst s10  }
0x35: {  	s10 =	sld [smem:$0x3FAE];
	_ =	sdelay $0x3  }
0x36: {  	p1 =	seq.s32 s10, $0x1;
	s10 =	sld [smem:$0x3FAF];
	_ =	sdelay $0x3  }
0x37: {  	[smem:$0x3FAF] =	sst s10  }
0x38: {  	s10 =	sld [smem:$0x3FB0]  }
0x39: {  	_ = 	snop;
	(pc) =	sbr.ind lr, $3  }
0x3a: {  	_ = 	snop  }
0x3b: {  	_ = 	snop  }
0x3c: {  	p2 =	seq.s32 s10, $0x1;
	s10 =	sld [smem:$0x3FAF]  }
0x3d: {  	_ =	shalt  }
0x3e: {  	_ =	shalt  }
0x3f: {  	_ =	shalt  }
0x40: {  	_ =	shalt  }
0x41: {  	_ =	shalt  }
0x42: {  	_ =	shalt  }
0x43: {  	_ =	shalt  }
0x44: {  	_ =	shalt  }
0x45: {  	_ =	shalt  }
0x46: {  	_ =	shalt  }
0x47: {  	_ =	shalt  }
0x48: {  	_ =	shalt  }
0x49: {  	_ =	shalt  }
0x4a: {  	_ =	shalt  }
0x4b: {  	_ =	shalt  }
0x4c: {  	_ =	shalt  }
0x4d: {  	_ =	shalt  }
0x4e: {  	_ =	shalt  }
0x4f: {  	_ =	shalt  }
0x50: {  	_ =	shalt  }
0x51: {  	_ =	shalt  }
0x52: {  	_ =	shalt  }
0x53: {  	_ =	shalt  }
0x54: {  	_ =	shalt  }
0x55: {  	_ =	shalt  }
0x56: {  	_ =	shalt  }
0x57: {  	_ =	shalt  }
0x58: {  	_ =	shalt  }
0x59: {  	_ =	shalt  }
0x5a: {  	_ =	shalt  }
0x5b: {  	_ =	shalt  }
0x5c: {  	_ =	shalt  }
0x5d: {  	_ =	shalt  }
0x5e: {  	_ =	shalt  }
0x5f: {  	_ =	shalt  }
0x60: {  	_ =	shalt  }
0x61: {  	_ =	shalt  }
0x62: {  	_ =	shalt  }
0x63: {  	_ =	shalt  }
0x64: {  	_ =	shalt  }
0x65: {  	_ =	shalt  }
0x66: {  	_ =	shalt  }
0x67: {  	_ =	shalt  }
0x68: {  	_ =	shalt  }
0x69: {  	_ =	shalt  }
0x6a: {  	_ =	shalt  }
0x6b: {  	_ =	shalt  }
0x6c: {  	_ =	shalt  }
0x6d: {  	_ =	shalt  }
0x6e: {  	_ =	shalt  }
0x6f: {  	_ =	shalt  }
0x70: {  	_ =	shalt  }
0x71: {  	_ =	shalt  }
0x72: {  	_ =	shalt  }
0x73: {  	_ =	shalt  }
0x74: {  	_ =	shalt  }
0x75: {  	_ =	shalt  }
0x76: {  	_ =	shalt  }
0x77: {  	_ =	shalt  }
0x78: {  	_ =	shalt  }
0x79: {  	_ =	shalt  }
0x7a: {  	_ =	shalt  }
0x7b: {  	_ =	shalt  }
0x7c: {  	_ =	shalt  }
0x7d: {  	_ =	shalt  }
0x7e: {  	_ =	shalt  }
0x7f: {  	_ =	shalt  }
0x80: {  	_ =	shalt  }
0x81: {  	_ =	shalt  }
0x82: {  	_ =	shalt  }
0x83: {  	_ =	shalt  }
0x84: {  	_ =	shalt  }
0x85: {  	_ =	shalt  }
0x86: {  	_ =	shalt  }
0x87: {  	_ =	shalt  }
.Lfunc_end0:
.L_simem_size_0:
called_computation_lowered:
.L_overlay_start_0:
0x88: {  	s2 =	sld [smem:$0x3FD9]  }
0x89: {  	s3 =	sld [smem:$0x3FFE];
	_ =	sdelay $0x1  }
0x8a: {  	s1 =	srdreg.scid  }
0x8b: {  	s0 =	sand.u32 $0x1, s1  }
0x8c: {  	s17 =	sshll.u32 s0, $0xA;
	s2 =	sadd.s32 s3, s2  }
0x8d: {  	s2 =	sadd.s32 s2, s17  }
0x8e: {  	[smem:$0x3FBB] =	sst s2  }
0x8f: {  	_ = 	snop  }
0x90: {  	(tm) =	ssettm $0x1  }
0x91: {  	s18 =	sld [smem:$0x3FFB];
	_ =	sdelay $0x3  }
0x92: {  	_ =	strace s18  }
0x93: {  	s2 =	sld [smem:$0x3FFC];
	_ =	sdelay $0x3  }
0x94: {  	_ =	strace s2  }
0x95: {  	s2 =	sld [smem:$0x3FFD];
	_ =	sdelay $0x3  }
0x96: {  	_ =	strace s2  }
0x97: {  	_ =	strace $0x8FFFFFFF  }
0x98: {  	s19 =	sld [smem:$0x3FDB];
	_ =	sdelay $0x1  }
0x99: {  	s20 =	simm.s32 $_scs_section_size  }
0x9a: {  	s4 =	simm.s32 $_size__tile_overlayer_lowered;
	s5 =	simm.s32 $_tile_overlayer_lowered  }
0x9b: {  	s6 =	simm.s32 $0x1BFF;
	s21 =	sshll.u32 s5, $0x1;
	s3 =	sadd.s32 s20, s19  }
0x9c: {  	s22 =	simm.s32 $0x0;
	s4 =	sshll.u32 s4, $0x1;
	s5 =	sadd.s32 s21, s3  }
0x9d: {  	[timem:s22], [sflag:s6] =	dma.local [hbm:s5], s4  }
0x9e: {  	_ =	swait.ge [sflag:s6], s4  }
0x9f: {  	s4 =	ssub.s32 $0x0, s4;
	[sflag:s6] =	ssyncset.done $0x0  }
0xa0: {  	[sflag:s6] =	ssyncadd.s32 s4;
	_ =	sdelay $0x1  }
0xa1: {  	s23 =	simm.s32 $0x1B8B  }
0xa2: {  	_ =	swait.ge [sflag:s23], $0x1  }
0xa3: {  	[sflag:s23] =	ssyncset.done $0x0  }
0xa4: {  	[sflag:s23] =	ssyncadd.s32 $0xFFFFFFFF  }
0xa5: {  	s4 =	sld [smem:$0x0]  }
0xa6: {  	s5 =	sand.u32 $0xFFFFFFFE, s1  }
0xa7: {  	p0 =	sne.s32 s1, s5  }
0xa8: {  	s5 =	sshll.u32 @p0 s5, $0xE  }
0xa9: {  	s5 =	sadd.s32 @p0 $0x11B8D, s5;
	s6 =	sshll.u32 @p0 s4, $0x11  }
0xaa: {  	s5 =	sor.u32 @p0 s6, s5  }
0xab: {  	[sflag:s5] =	ssyncadd.remote.s32 @p0 $0x1;
	_ =	sdelay $0x1  }
0xac: {  	s5 =	simm.s32 @p0 $0x1B8D  }
0xad: {  	_ =	swait.eq @p0 [sflag:s5], $0x1  }
0xae: {  	[sflag:s5] =	ssyncadd.s32 @p0 $0xFFFFFFFF  }
0xaf: {  	s6 =	sshll.u32 @!p0 s1, $0xE  }
0xb0: {  	s6 =	sor.u32 @!p0 $0x4000, s6;
	s5 =	simm.s32 @!p0 $0x1B8D  }
0xb1: {  	s4 =	sshll.u32 @!p0 s4, $0x11;
	s6 =	sadd.s32 @!p0 $0x11B8D, s6;
	_ =	swait.eq @!p0 [sflag:s5], $0x1  }
0xb2: {  	s4 =	sor.u32 @!p0 s4, s6;
	[sflag:s5] =	ssyncadd.s32 @!p0 $0xFFFFFFFF  }
0xb3: {  	s25 =	simm.s32 $0x1B8E;
	s24 =	sld [smem:$0x3FFE];
	[sflag:s4] =	ssyncadd.remote.s32 @!p0 $0x1  }
0xb4: {  	s26 =	simm.s32 $execute0_lowered;
	[smem:$0x3FD2] =	sst s25  }
0xb5: {  	s5 =	sshll.u32 s26, $0x1;
	_ =	strace $0x80000049;
	[dreg:$0x1] =	wrdreg $0xFFFFFFFF  }
0xb6: {  	s28 =	simm.s32 $_size_execute0_lowered;
	s3 =	sadd.s32 s3, s5;
	[dreg:$0x0] =	wrdreg $0x0  }
0xb7: {  	s5 =	sshll.u32 s28, $0x1;
	[dreg:$0x2] =	wrdreg s3  }
0xb8: {  	[dreg:$0x3] =	wrdreg s5  }
0xb9: {  	[dreg:$0x4] =	wrdreg $0xC0  }
0xba: {  	_ =	task [dreg:s22], $0x5FFFF  }
0xbb: {  	[dreg:$0x1] =	wrdreg $0xFFFFFFFF  }
0xbc: {  	[dreg:$0x0] =	wrdreg $0x60  }
0xbd: {  	[dreg:$0x2] =	wrdreg s24  }
0xbe: {  	[dreg:$0x3] =	wrdreg $0x9  }
0xbf: {  	_ =	task.clear_ibuf [dreg:s22], $0x4FFFF;
	_ =	strace $0x90000049  }
0xc0: {  	s29 =	simm.s32 $0x9;
	_ =	strace $0x8000004B  }
0xc1: {  	_ =	swait.ge [sflag:s29], $0x1  }
0xc2: {  	[sflag:s29] =	ssyncadd.s32 $0xFFFFFFFF  }
0xc3: {  	_ =	strace $0x9000004B  }
0xc4: {  	_ =	sfence  }
0xc5: {  	s30 =	sld [smem:$0x0];
	_ =	sdelay $0x2  }
0xc6: {  	s31 =	sshll.u32 s1, $0xD;
	s1 =	sshrl.u32 s1, $0x2  }
0xc7: {  	s4 =	sand.u32 $0x4000, s31;
	s1 =	sadd.s32 s1, s30  }
0xc8: {  	s0 =	sor.u32 s4, s0;
	s1 =	sshll.u32 s1, $0x11  }
0xc9: {  	s0 =	sor.u32 s1, s0  }
0xca: {  	s0 =	sadd.s32 $0x8F2B, s0  }
0xcb: {  	[sflag:s0] =	ssyncadd.remote.s32 $0x1  }
0xcc: {  	_ =	sfence.sel $0xFFFF  }
0xcd: {  	[dreg:$0x0] =	wrdreg $0xFFFFFFFF;
	(pc) =	sbr.abs _section_cstart, $3  }
0xce: {  	[dreg:$0x1] =	wrdreg $0xFFFFFFFF  }
0xcf: {  	_ =	task.clear_ibuf [dreg:s22], $0x2FFFF;
	_ =	strace $0x9FFFFFFF  }
0xd0: {  	(tm) =	ssettm $0x7FFFFFFF  }
0xd1: {  	_ =	shalt  }
tec
execute0_lowered:
.L_overlay_start_1:
0x0: {  	(tag) =	ssettag $0x1  }
0x1: {  	s1 =	srdreg.scid;
	s0 =	stileid.u32  }
0x2: {  	s4 =	rddreg [dreg:$0x0];
	s2 =	simm.s32 $0x0;
	s12 =	simm.s32 $0x1  }
0x3: {  	s13 =	simm.s32 $0x2;
	s14 =	simm.s32 $0x0;
	s5 =	sand.u32 $0x1, s1  }
0x4: {  	s3 =	sshll.u32 s0, $0x1;
	[smem:$0x7FF] =	sst s2;
	s10 =	smul.u32 $0x65900, s0  }
0x5: {  	s8 =	sadd.s32 $0x9BAE00, s4;
	s6 =	sor.u32 s5, s3;
	s11 =	smul.u32 $0x32C80, s5  }
0x6: {  	s1 =	rddreg [dreg:$0x1];
	_ =	strace $0x8000004A;
	s7 =	smul.u32 $0x32C8, s6  }
0x7: {  	s3 =	sadd.s32 $0x31B800, s4;
	s30 =	ssub.s32 $0x2, s5;
	s6 =	smul.u32 $0x196400, s6  }
0x8: {  	s9 =	sshrl.u32 s30, $0x1;
	s31 =	sadd.s32 s10, s8;
	s10 =	simm.s32 $0x3300  }
0x9: {  	s9 =	ssub.s32 s30, s9;
	s7 =	sshrl.u32 s7, $0x3;
	s6 =	sshrl.u32 s6, $0x3  }
0xa: {  	s7 =	sadd.s32 s7, s4;
	s6 =	sadd.s32 s8, s6;
	s8 =	simm.s32 $0x3  }
0xb: {  	s4 =	sadd.s32 $0x2400, s7;
	s5 =	sadd.s32 $0x32000, s6;
	s6 =	smax.u32 s9, $0x1  }
0xc: {  	s7 =	sadd.s32 s11, s31;
	s9 =	simm.s32 $0xC8;
	s11 =	simm.s32 $0x9700  }
.LBB2_1:
0xd: {  	[tilespmem:s2], [sflag:$0x3] =	stream.linear.gather [hbm4b:s4+s2], $0x32C8, $0x38;
	[tilespmem:$0xFB00] =	vst v63  }
0xe: {  	_ =	swait.ge [sflag:s8], $0x32C8  }
0xf: {  	[sflag:s8] =	ssyncset.done $0x0  }
0x10: {  	[sflag:s8] =	ssyncadd.s32 $0xFFFFCD38  }
0x11: {  	[tilespmem:s10], [sflag:$0x1] =	stream.indirect.gather [hbm4b:s3+s9], $0x80, s2, s9, $0xb8;
	[tilespmem:$0xFB00] =	vst v63  }
0x12: {  	s15 =	simm.s32 $0xC8  }
0x13: {  	[tilespmem:s11], [sflag:$0x2] =	stream.indirect.gather [hbm4b:s3+s9], $0x80, s15, s9, $0xb8;
	[tilespmem:$0xFB00] =	vst v63  }
0x14: {  	_ =	swait.ge [sflag:s12], $0x6400  }
0x15: {  	[sflag:s12] =	ssyncset.done $0x0  }
0x16: {  	s31 =	sadd.s32 $0x0, s7;
	[sflag:s12] =	ssyncadd.s32 $0xFFFF9C00  }
0x17: {  	[hbm4b:s31+s2] =	stream.linear.scatter [tilespmem:s10], [sflag:$0x3], $0x6400, $0x38;
	[tilespmem:$0xFB00] =	vst v63  }
0x18: {  	_ =	swait.ge [sflag:s8], $0x6400  }
0x19: {  	[sflag:s8] =	ssyncset.done $0x0  }
0x1a: {  	s16 =	simm.s32 $0x190;
	[sflag:s8] =	ssyncadd.s32 $0xFFFF9C00  }
0x1b: {  	[tilespmem:s10], [sflag:$0x1] =	stream.indirect.gather [hbm4b:s3+s9], $0x80, s16, s9, $0xb8;
	[tilespmem:$0xFB00] =	vst v63  }
0x1c: {  	_ =	swait.ge [sflag:s13], $0x6400  }
0x1d: {  	[sflag:s13] =	ssyncset.done $0x0  }
0x1e: {  	s15 =	sadd.s32 $0xC80, s31;
	[sflag:s13] =	ssyncadd.s32 $0xFFFF9C00  }
0x1f: {  	[hbm4b:s15+s2] =	stream.linear.scatter [tilespmem:s11], [sflag:$0x3], $0x6400, $0x38;
	[tilespmem:$0xFB00] =	vst v63  }
0x20: {  	s17 =	simm.s32 $0x3200;
	_ =	swait.ge [sflag:s8], $0x6400  }
0x21: {  	s16 =	simm.s32 $0x1900;
	s15 =	simm.s32 $0x320;
	[sflag:s8] =	ssyncset.done $0x0  }
.LBB2_2:
0x22: {  	p0 =	sne.s32 s17, $0x30700;
	s18 =	sadd.s32 $0xFFFFFF38, s15;
	[sflag:s8] =	ssyncadd.s32 $0xFFFF9C00  }
0x23: {  	[tilespmem:s11], [sflag:$0x2] =	stream.indirect.gather [hbm4b:s3+s9], $0x80, s18, s9, $0xb8;
	[tilespmem:$0xFB00] =	vst v63  }
0x24: {  	s18 =	smov.u32 s17;
	s17 =	sadd.s32 $0x1900, s17;
	_ =	swait.ge [sflag:s12], $0x6400  }
0x25: {  	[sflag:s12] =	ssyncset.done $0x0  }
0x26: {  	s19 =	sadd.s32 s16, s7;
	s16 =	smov.u32 s18;
	[sflag:s12] =	ssyncadd.s32 $0xFFFF9C00  }
0x27: {  	[hbm4b:s19+s2] =	stream.linear.scatter [tilespmem:s10], [sflag:$0x3], $0x6400, $0x38;
	[tilespmem:$0xFB00] =	vst v63  }
0x28: {  	_ =	swait.ge [sflag:s8], $0x6400  }
0x29: {  	[sflag:s8] =	ssyncset.done $0x0  }
0x2a: {  	[sflag:s8] =	ssyncadd.s32 $0xFFFF9C00  }
0x2b: {  	[tilespmem:s10], [sflag:$0x1] =	stream.indirect.gather [hbm4b:s3+s9], $0x80, s15, s9, $0xb8;
	[tilespmem:$0xFB00] =	vst v63  }
0x2c: {  	_ =	swait.ge [sflag:s13], $0x6400  }
.Ltmp0:
0x2d: {  	[sflag:s13] =	ssyncset.done $0x0;
	(pc) =	sbr.rel @p0 .LBB2_2-.Ltmp0, $4  }
0x2e: {  	s18 =	sadd.s32 $0xC80, s19;
	[sflag:s13] =	ssyncadd.s32 $0xFFFF9C00  }
0x2f: {  	[hbm4b:s18+s2] =	stream.linear.scatter [tilespmem:s11], [sflag:$0x3], $0x6400, $0x38;
	[tilespmem:$0xFB00] =	vst v63  }
0x30: {  	_ =	swait.ge [sflag:s8], $0x6400  }
0x31: {  	s15 =	sadd.s32 $0x190, s15;
	[sflag:s8] =	ssyncset.done $0x0  }
0x32: {  	s17 =	sadd.s32 $0xFFFFFF38, s15;
	[sflag:s8] =	ssyncadd.s32 $0xFFFF9C00  }
0x33: {  	[tilespmem:s11], [sflag:$0x2] =	stream.indirect.gather [hbm4b:s3+s9], $0x80, s17, s9, $0xb8;
	[tilespmem:$0xFB00] =	vst v63  }
0x34: {  	_ =	swait.ge [sflag:s12], $0x6400  }
0x35: {  	[sflag:s12] =	ssyncset.done $0x0  }
0x36: {  	s16 =	sadd.s32 s16, s7;
	[sflag:s12] =	ssyncadd.s32 $0xFFFF9C00  }
0x37: {  	[hbm4b:s16+s2] =	stream.linear.scatter [tilespmem:s10], [sflag:$0x3], $0x6400, $0x38;
	[tilespmem:$0xFB00] =	vst v63  }
0x38: {  	_ =	swait.ge [sflag:s8], $0x6400  }
0x39: {  	[sflag:s8] =	ssyncset.done $0x0  }
0x3a: {  	[sflag:s8] =	ssyncadd.s32 $0xFFFF9C00  }
0x3b: {  	[tilespmem:s10], [sflag:$0x1] =	stream.indirect.gather [hbm4b:s3+s9], $0x80, s15, s9, $0xb8;
	[tilespmem:$0xFB00] =	vst v63  }
0x3c: {  	_ =	swait.ge [sflag:s13], $0x6400  }
0x3d: {  	[sflag:s13] =	ssyncset.done $0x0  }
0x3e: {  	s31 =	sadd.s32 $0xC80, s16;
	[sflag:s13] =	ssyncadd.s32 $0xFFFF9C00  }
0x3f: {  	[hbm4b:s31+s2] =	stream.linear.scatter [tilespmem:s11], [sflag:$0x3], $0x6400, $0x38;
	[tilespmem:$0xFB00] =	vst v63  }
0x40: {  	_ =	swait.ge [sflag:s8], $0x6400  }
0x41: {  	[sflag:s8] =	ssyncset.done $0x0  }
0x42: {  	[sflag:s8] =	ssyncadd.s32 $0xFFFF9C00  }
0x43: {  	s14 =	sadd.s32 $0x1, s14;
	_ =	swait.ge [sflag:s12], $0x6400  }
0x44: {  	p0 =	sne.s32 s14, s6;
	[sflag:s12] =	ssyncset.done $0x0  }
.Ltmp1:
0x45: {  	[sflag:s12] =	ssyncadd.s32 $0xFFFF9C00;
	(pc) =	sbr.rel @p0 .LBB2_1-.Ltmp1, $4  }
0x46: {  	[hbm4b:s5+s2] =	stream.linear.scatter [tilespmem:s10], [sflag:$0x3], $0x6400, $0x38;
	[tilespmem:$0xFB00] =	vst v63  }
0x47: {  	_ =	swait.ge [sflag:s8], $0x6400  }
0x48: {  	[sflag:s8] =	ssyncset.done $0x0  }
0x49: {  	[sflag:s8] =	ssyncadd.s32 $0xFFFF9C00  }
0x4a: {  	_ =	sfence.sel $0x180000  }
0x4b: {  	[bflag:$0x0] =	sbarrier.arrive $0xFFFF  }
0x4c: {  	p0 =	sne.s32 s0, $0x0;
	_ =	strace $0x9000004A  }
0x4d: {  	s0 =	sadd.s32 @!p0 $0x100000, s1;
	[bflag:$0x2] =	sbarrier.arrive $0xFFFF  }
0x4e: {  	[sflag:s0] =	ssyncadd.tile.s32 @!p0 $0x1;
	_ =	shalt  }
.Lfunc_end2:
_tile_overlayer_lowered:
.L_overlay_start_2:
0x4f: {  	(tag) =	ssettag $0x2  }
0x50: {  	s0 =	rddreg [dreg:$0x0];
	s2 =	stileid.u32  }
0x51: {  	s1 =	rddreg [dreg:$0x1];
	p0 =	sne.s32 s2, $0x0  }
0x52: {  	s3 =	rddreg [dreg:$0x2];
	[bflag:$0x3] =	sbarrier.arrive $0xFFFF;
	s2 =	simm.s32 @!p0 $0x1C03  }
0x53: {  	[timem:s3], [sflag:s2] =	dma.local @!p0 [hbm:s0], s1  }
0x54: {  	s0 =	simm.s32 @!p0 $0x3  }
0x55: {  	_ =	swait.ge @!p0 [sflag:s0], s1  }
0x56: {  	s1 =	ssub.s32 @!p0 $0x0, s1;
	[sflag:s0] =	ssyncset.done @!p0 $0x0  }
0x57: {  	[sflag:s0] =	ssyncadd.s32 @!p0 s1  }
0x58: {  	[bflag:$0x3] =	sbarrier.arrive $0xFFFF  }
0x59: {  	_ =	shalt  }

</sc_bundles>
